<compile_context>
chip_gen: v7x
topology: tpu7x:2x2x1
jax: 0.10.2.dev20260603
libtpu: 0.0.44.dev20260713+nightly
codegen_flags: <defaults>
</compile_context>

<pallas_src>
import functools

import jax
import jax.numpy as jnp
from jax import lax
from jax.experimental import pallas as pl
from jax.experimental.pallas import tpu as pltpu
from jax.experimental.pallas import tpu_sc as plsc

B = 16384
C = 128
BETA = 0.7
LAM = 3.0

RBA = 8192
RBB = 4096
NBA = B // RBA
NBB = B // RBB
NC, NS = 2, 16
NW = NC * NS
BPW = B // NW
CH = 128
NCH = BPW // CH
L = 16


@functools.cache
def _sc_gather_kernel():
    mesh = plsc.VectorSubcoreMesh(
        core_axis_name="c", subcore_axis_name="s", num_cores=NC, num_subcores=NS
    )

    @functools.partial(
        pl.kernel,
        mesh=mesh,
        out_type=(
            jax.ShapeDtypeStruct((B, C), jnp.float32),
            jax.ShapeDtypeStruct((B // CH, CH), jnp.float32),
        ),
        scratch_types=[
            pltpu.VMEM((NCH, CH), jnp.int32),
            pltpu.VMEM((NCH, CH), jnp.int32),
            pltpu.VMEM((NCH, CH, C), jnp.float32),
            pltpu.VMEM((NCH, CH), jnp.float32),
            pltpu.SemaphoreType.DMA,
            pltpu.SemaphoreType.DMA,
            pltpu.SemaphoreType.DMA,
        ],
    )
    def _sc_gather(idx_hbm, lab_hbm, xflat_hbm, tgt_hbm, g_hbm, xlab_hbm,
                   idx_v, lidx_v, rows_v, xlab_v, sem_g, sem_x, sem_st):
        wid = lax.axis_index("s") * NC + lax.axis_index("c")
        base = wid * BPW
        pltpu.sync_copy(idx_hbm.at[pl.ds(wid * NCH, NCH)], idx_v)
        pltpu.sync_copy(lab_hbm.at[pl.ds(wid * NCH, NCH)], lidx_v)
        g_copies = [
            pltpu.async_copy(tgt_hbm.at[idx_v.at[c]], rows_v.at[c], sem_g)
            for c in range(NCH)
        ]
        lane = lax.iota(jnp.int32, L)
        for c in range(NCH):
            for v in range(CH // L):
                lab = lidx_v[c, pl.ds(v * L, L)]
                row0 = base + c * CH + v * L
                lidx_v[c, pl.ds(v * L, L)] = (row0 + lane) * C + lab
        x_copies = [
            pltpu.async_copy(xflat_hbm.at[lidx_v.at[c]], xlab_v.at[c], sem_x)
            for c in range(NCH)
        ]
        st_copies = []
        for c in range(NCH):
            g_copies[c].wait()
            st_copies.append(
                pltpu.async_copy(rows_v.at[c], g_hbm.at[pl.ds(base + c * CH, CH)],
                                 sem_st)
            )
        for c in range(NCH):
            x_copies[c].wait()
        pltpu.sync_copy(xlab_v, xlab_hbm.at[pl.ds(wid * NCH, NCH)])
        for c in range(NCH):
            st_copies[c].wait()

    return _sc_gather


def _stats_body(out_ref, pc_ref, s1_ref, logs_ref):
    x = out_ref[...]
    e = jnp.exp(x)
    s = jnp.sum(e, axis=1, keepdims=True)
    pc = jnp.clip(e / s, 1e-4, 1.0 - 1e-4)
    pc_ref[...] = pc.astype(jnp.bfloat16)
    spc = jnp.sum(pc, axis=1, keepdims=True)
    spc2 = jnp.sum(pc * pc, axis=1, keepdims=True)
    spcL = jnp.reshape(spc, (RBA // C, C))
    spc2L = jnp.reshape(spc2, (RBA // C, C))
    sL = jnp.reshape(s, (RBA // C, C))
    s1_ref[...] = spc2L / spcL
    logs_ref[...] = jnp.log(sL)


def _stats(output):
    return pl.pallas_call(
        _stats_body,
        grid=(NBA,),
        in_specs=[pl.BlockSpec((RBA, C), lambda i: (i, 0))],
        out_specs=[
            pl.BlockSpec((RBA, C), lambda i: (i, 0)),
            pl.BlockSpec((RBA // C, C), lambda i: (i, 0)),
            pl.BlockSpec((RBA // C, C), lambda i: (i, 0)),
        ],
        out_shape=[
            jax.ShapeDtypeStruct((B, C), jnp.bfloat16),
            jax.ShapeDtypeStruct((B // C, C), jnp.float32),
            jax.ShapeDtypeStruct((B // C, C), jnp.float32),
        ],
    )(output)


def _final_body(pc_ref, g_ref, s1_ref, logs_ref, xlab_ref, acc_ref):
    i = pl.program_id(0)

    @pl.when(i == 0)
    def _():
        acc_ref[...] = jnp.zeros((1, 1), jnp.float32)

    pc = pc_ref[...].astype(jnp.float32)
    d2 = jnp.sum(g_ref[...] * pc, axis=1, keepdims=True)
    d2L = jnp.reshape(d2, (RBB // C, C))
    elrL = jnp.log(1.0 - BETA * d2L - (1.0 - BETA) * s1_ref[...])
    ceL = xlab_ref[...] - logs_ref[...]
    part = (LAM * jnp.sum(elrL) - jnp.sum(ceL)) / B
    acc_ref[...] += jnp.reshape(part, (1, 1))


def _final(pc, g, s1, logs, xlab2d):
    return pl.pallas_call(
        _final_body,
        grid=(NBB,),
        in_specs=[
            pl.BlockSpec((RBB, C), lambda i: (i, 0)),
            pl.BlockSpec((RBB, C), lambda i: (i, 0)),
            pl.BlockSpec((RBB // C, C), lambda i: (i, 0)),
            pl.BlockSpec((RBB // C, C), lambda i: (i, 0)),
            pl.BlockSpec((RBB // C, C), lambda i: (i, 0)),
        ],
        out_specs=pl.BlockSpec((1, 1), lambda i: (0, 0)),
        out_shape=jax.ShapeDtypeStruct((1, 1), jnp.float32),
    )(pc, g, s1, logs, xlab2d)


def kernel(index, output, label, target):
    g, xlab = _sc_gather_kernel()(
        index.reshape(B // CH, CH),
        label.reshape(B // CH, CH),
        output.reshape(B * C),
        target,
    )
    pc, s1, logs = _stats(output)
    loss = _final(pc, g, s1, logs, xlab.reshape(B // C, C))
    return loss[0, 0]

# --- scband reference (transcript-rebuilt; emitter-appended) ---
"""Pipeline reference for scband-elr-loss-6064493822452 (READ-ONLY COPY).

The authoritative reference and input builder live on the scoring server;
editing this copy changes nothing except your own understanding.
"""

import jax, jax.numpy as jnp
import numpy as np

NUM_EXAMP = 1000000
NUM_CLASSES = 128
BATCH = 16384
BETA = 0.7
LAMBDA = 3.0


def setup_inputs(seed: int = 0) -> dict:
    key = jax.random.key(seed)
    k1, k2, k3 = jax.random.split(key, 3)
    index = jax.random.randint(k1, (BATCH,), 0, NUM_EXAMP, dtype=jnp.int64 if jax.config.jax_enable_x64 else jnp.int32).astype(jnp.int32)
    output = jax.random.normal(k2, (BATCH, NUM_CLASSES), dtype=jnp.float32)
    label = jax.random.randint(k3, (BATCH,), 0, NUM_CLASSES).astype(jnp.int32)
    target = jnp.zeros((NUM_EXAMP, NUM_CLASSES), dtype=jnp.float32)
    return {"index": index, "output": output, "label": label, "target": target}


def reference(index, output, label, target):
    # y_pred = softmax(output), clamped
    y_pred = jax.nn.softmax(output, axis=1)
    y_pred = jnp.clip(y_pred, 0.0001, 1.0 - 0.0001)
    y_pred_ = jax.lax.stop_gradient(y_pred)
    # EMA update of running target (scatter-overwrite into big memory table)
    gathered = jnp.take(target, index, axis=0)
    new_vals = BETA * gathered + (1.0 - BETA) * (y_pred_ / y_pred_.sum(axis=1, keepdims=True))
    target = target.at[index].set(new_vals)
    # cross entropy with integer labels (mean reduction)
    logp = jax.nn.log_softmax(output, axis=1)
    ce_loss = -jnp.take_along_axis(logp, label[:, None], axis=1).squeeze(1).mean()
    # ELR regularizer: gather updated targets back
    t_idx = jnp.take(target, index, axis=0)
    elr_reg = jnp.log(1.0 - (t_idx * y_pred).sum(axis=1)).mean()
    loss = ce_loss + LAMBDA * elr_reg
    return loss

if __name__ == "__main__":
    import jax
    _d = setup_inputs()
    print(jax.jit(kernel)(*tuple(_d.values())))

</pallas_src>

<mosaic_0001>
#map = affine_map<(d0, d1) -> (0, 0)>
#map1 = affine_map<(d0, d1) -> (0)>
module attributes {stable_mosaic.version = 14 : i64} {
  func.func @_sc_gather(%arg0: i32, %arg1: i32, %arg2: memref<128x128xi32, #tpu.memory_space<hbm>>, %arg3: memref<128x128xi32, #tpu.memory_space<hbm>>, %arg4: memref<2097152xf32, #tpu.memory_space<hbm>>, %arg5: memref<1000000x128xf32, #tpu.memory_space<hbm>>, %arg6: memref<16384x128xf32, #tpu.memory_space<hbm>>, %arg7: memref<128x128xf32, #tpu.memory_space<hbm>>, %arg8: memref<4x128xi32, #tpu.memory_space<vmem>>, %arg9: memref<4x128xi32, #tpu.memory_space<vmem>>, %arg10: memref<4x128x128xf32, #tpu.memory_space<vmem>>, %arg11: memref<4x128xf32, #tpu.memory_space<vmem>>, %arg12: memref<!tpu.dma_semaphore, #tpu.memory_space<semaphore_mem>>, %arg13: memref<!tpu.dma_semaphore, #tpu.memory_space<semaphore_mem>>, %arg14: memref<!tpu.dma_semaphore, #tpu.memory_space<semaphore_mem>>) attributes {dimension_semantics = [#tpu.dimension_semantics<core_parallel>, #tpu.dimension_semantics<subcore_parallel>], iteration_bounds = array<i64: 2, 16>, scalar_prefetch = 0 : i64, scratch_operands = 7 : i64, tpu.core_type = #tpu.core_type<sc_vector_subcore>, window_params = [{transform_indices = #map}, {transform_indices = #map}, {transform_indices = #map1}, {transform_indices = #map}, {transform_indices = #map}, {transform_indices = #map}]} {
    %mul3A = arith.constant 2 : i32
    %mul3A_0 = arith.muli %arg1, %mul3A : i32
    %add3A = arith.addi %mul3A_0, %arg0 : i32
    %mul3A_1 = arith.constant 512 : i32
    %mul3A_2 = arith.muli %add3A, %mul3A_1 : i32
    %mul3A_3 = arith.constant 4 : i32
    %mul3A_4 = arith.muli %add3A, %mul3A_3 : i32
    "tpu.region"() ({
      %run_scoped3A = tpu.sem_alloc : memref<!tpu.dma_semaphore, #tpu.memory_space<semaphore_mem>>
      %dma_start3A_965 = arith.constant 0 : i32
      %dma_start3A_966 = tpu.memref_slice %arg2[%mul3A_4, %dma_start3A_965] : memref<128x128xi32, #tpu.memory_space<hbm>> -> memref<4x128xi32, #tpu.memory_space<hbm>>
      %dma_start3A_967 = arith.constant 0 : i32
      %dma_start3A_968 = tpu.memref_slice %arg2[%mul3A_4, %dma_start3A_967] : memref<128x128xi32, #tpu.memory_space<hbm>> -> memref<4x128xi32, #tpu.memory_space<hbm>>
      tpu.enqueue_dma source(%dma_start3A_968 : memref<4x128xi32, #tpu.memory_space<hbm>>) target(%arg8 : memref<4x128xi32, #tpu.memory_space<vmem>>) target_semaphore(%run_scoped3A : memref<!tpu.dma_semaphore, #tpu.memory_space<semaphore_mem>>)
      %dma_wait3A_969 = arith.constant 0 : i32
      %dma_wait3A_970 = tpu.memref_slice %arg2[%mul3A_4, %dma_wait3A_969] : memref<128x128xi32, #tpu.memory_space<hbm>> -> memref<4x128xi32, #tpu.memory_space<hbm>>
      %dma_wait3A_971 = arith.constant 0 : i32
      %dma_wait3A_972 = tpu.memref_slice %arg2[%mul3A_4, %dma_wait3A_971] : memref<128x128xi32, #tpu.memory_space<hbm>> -> memref<4x128xi32, #tpu.memory_space<hbm>>
      tpu.wait_dma2 semaphore(%run_scoped3A : memref<!tpu.dma_semaphore, #tpu.memory_space<semaphore_mem>>) src(%dma_wait3A_972 : memref<4x128xi32, #tpu.memory_space<hbm>>) dst(%arg8 : memref<4x128xi32, #tpu.memory_space<vmem>>)
      tpu.yield
    }) : () -> ()
    %mul3A_5 = arith.constant 4 : i32
    %mul3A_6 = arith.muli %add3A, %mul3A_5 : i32
    "tpu.region"() ({
      %run_scoped3A = tpu.sem_alloc : memref<!tpu.dma_semaphore, #tpu.memory_space<semaphore_mem>>
      %dma_start3A_965 = arith.constant 0 : i32
      %dma_start3A_966 = tpu.memref_slice %arg3[%mul3A_6, %dma_start3A_965] : memref<128x128xi32, #tpu.memory_space<hbm>> -> memref<4x128xi32, #tpu.memory_space<hbm>>
      %dma_start3A_967 = arith.constant 0 : i32
      %dma_start3A_968 = tpu.memref_slice %arg3[%mul3A_6, %dma_start3A_967] : memref<128x128xi32, #tpu.memory_space<hbm>> -> memref<4x128xi32, #tpu.memory_space<hbm>>
      tpu.enqueue_dma source(%dma_start3A_968 : memref<4x128xi32, #tpu.memory_space<hbm>>) target(%arg9 : memref<4x128xi32, #tpu.memory_space<vmem>>) target_semaphore(%run_scoped3A : memref<!tpu.dma_semaphore, #tpu.memory_space<semaphore_mem>>)
      %dma_wait3A_969 = arith.constant 0 : i32
      %dma_wait3A_970 = tpu.memref_slice %arg3[%mul3A_6, %dma_wait3A_969] : memref<128x128xi32, #tpu.memory_space<hbm>> -> memref<4x128xi32, #tpu.memory_space<hbm>>
      %dma_wait3A_971 = arith.constant 0 : i32
      %dma_wait3A_972 = tpu.memref_slice %arg3[%mul3A_6, %dma_wait3A_971] : memref<128x128xi32, #tpu.memory_space<hbm>> -> memref<4x128xi32, #tpu.memory_space<hbm>>
      tpu.wait_dma2 semaphore(%run_scoped3A : memref<!tpu.dma_semaphore, #tpu.memory_space<semaphore_mem>>) src(%dma_wait3A_972 : memref<4x128xi32, #tpu.memory_space<hbm>>) dst(%arg9 : memref<4x128xi32, #tpu.memory_space<vmem>>)
      tpu.yield
    }) : () -> ()
    %dma_start3A = arith.constant 0 : i32
    %dma_start3A_7 = arith.constant 0 : i32
    %dma_start3A_8 = arith.constant 0 : i32
    %dma_start3A_9 = arith.constant 0 : i32
    %dma_start3A_10 = tpu.memref_slice %arg10[%dma_start3A_7, %dma_start3A_8, %dma_start3A_9] : memref<4x128x128xf32, #tpu.memory_space<vmem>> -> memref<1x128x128xf32, #tpu.memory_space<vmem>>
    %dma_start3A_11 = tpu.memref_squeeze %dma_start3A_10 : memref<1x128x128xf32, #tpu.memory_space<vmem>> -> memref<128x128xf32, #tpu.memory_space<vmem>>
    %dma_start3A_12 = arith.constant 0 : i32
    %dma_start3A_13 = tpu.memref_slice %arg8[%dma_start3A, %dma_start3A_12] : memref<4x128xi32, #tpu.memory_space<vmem>> -> memref<1x128xi32, #tpu.memory_space<vmem>>
    %dma_start3A_14 = tpu.memref_squeeze %dma_start3A_13 : memref<1x128xi32, #tpu.memory_space<vmem>> -> memref<128xi32, #tpu.memory_space<vmem>>
    %dma_start3A_15 = arith.constant 0 : i32
    %dma_start3A_16 = arith.constant 0 : i32
    %dma_start3A_17 = tpu.memref_slice %arg5[%dma_start3A_15, %dma_start3A_16] : memref<1000000x128xf32, #tpu.memory_space<hbm>> -> memref<1000000x128xf32, #tpu.memory_space<hbm>>
    tpu.enqueue_indirect_dma source(%dma_start3A_17 : memref<1000000x128xf32, #tpu.memory_space<hbm>>) target(%dma_start3A_11 : memref<128x128xf32, #tpu.memory_space<vmem>>) offsets(%dma_start3A_14 : memref<128xi32, #tpu.memory_space<vmem>>) semaphore(%arg12 : memref<!tpu.dma_semaphore, #tpu.memory_space<semaphore_mem>>)
    %dma_start3A_18 = arith.constant 1 : i32
    %dma_start3A_19 = arith.constant 1 : i32
    %dma_start3A_20 = arith.constant 0 : i32
    %dma_start3A_21 = arith.constant 0 : i32
    %dma_start3A_22 = tpu.memref_slice %arg10[%dma_start3A_19, %dma_start3A_20, %dma_start3A_21] : memref<4x128x128xf32, #tpu.memory_space<vmem>> -> memref<1x128x128xf32, #tpu.memory_space<vmem>>
    %dma_start3A_23 = tpu.memref_squeeze %dma_start3A_22 : memref<1x128x128xf32, #tpu.memory_space<vmem>> -> memref<128x128xf32, #tpu.memory_space<vmem>>
    %dma_start3A_24 = arith.constant 0 : i32
    %dma_start3A_25 = tpu.memref_slice %arg8[%dma_start3A_18, %dma_start3A_24] : memref<4x128xi32, #tpu.memory_space<vmem>> -> memref<1x128xi32, #tpu.memory_space<vmem>>
    %dma_start3A_26 = tpu.memref_squeeze %dma_start3A_25 : memref<1x128xi32, #tpu.memory_space<vmem>> -> memref<128xi32, #tpu.memory_space<vmem>>
    %dma_start3A_27 = arith.constant 0 : i32
    %dma_start3A_28 = arith.constant 0 : i32
    %dma_start3A_29 = tpu.memref_slice %arg5[%dma_start3A_27, %dma_start3A_28] : memref<1000000x128xf32, #tpu.memory_space<hbm>> -> memref<1000000x128xf32, #tpu.memory_space<hbm>>
    tpu.enqueue_indirect_dma source(%dma_start3A_29 : memref<1000000x128xf32, #tpu.memory_space<hbm>>) target(%dma_start3A_23 : memref<128x128xf32, #tpu.memory_space<vmem>>) offsets(%dma_start3A_26 : memref<128xi32, #tpu.memory_space<vmem>>) semaphore(%arg12 : memref<!tpu.dma_semaphore, #tpu.memory_space<semaphore_mem>>)
    %dma_start3A_30 = arith.constant 2 : i32
    %dma_start3A_31 = arith.constant 2 : i32
    %dma_start3A_32 = arith.constant 0 : i32
    %dma_start3A_33 = arith.constant 0 : i32
    %dma_start3A_34 = tpu.memref_slice %arg10[%dma_start3A_31, %dma_start3A_32, %dma_start3A_33] : memref<4x128x128xf32, #tpu.memory_space<vmem>> -> memref<1x128x128xf32, #tpu.memory_space<vmem>>
    %dma_start3A_35 = tpu.memref_squeeze %dma_start3A_34 : memref<1x128x128xf32, #tpu.memory_space<vmem>> -> memref<128x128xf32, #tpu.memory_space<vmem>>
    %dma_start3A_36 = arith.constant 0 : i32
    %dma_start3A_37 = tpu.memref_slice %arg8[%dma_start3A_30, %dma_start3A_36] : memref<4x128xi32, #tpu.memory_space<vmem>> -> memref<1x128xi32, #tpu.memory_space<vmem>>
    %dma_start3A_38 = tpu.memref_squeeze %dma_start3A_37 : memref<1x128xi32, #tpu.memory_space<vmem>> -> memref<128xi32, #tpu.memory_space<vmem>>
    %dma_start3A_39 = arith.constant 0 : i32
    %dma_start3A_40 = arith.constant 0 : i32
    %dma_start3A_41 = tpu.memref_slice %arg5[%dma_start3A_39, %dma_start3A_40] : memref<1000000x128xf32, #tpu.memory_space<hbm>> -> memref<1000000x128xf32, #tpu.memory_space<hbm>>
    tpu.enqueue_indirect_dma source(%dma_start3A_41 : memref<1000000x128xf32, #tpu.memory_space<hbm>>) target(%dma_start3A_35 : memref<128x128xf32, #tpu.memory_space<vmem>>) offsets(%dma_start3A_38 : memref<128xi32, #tpu.memory_space<vmem>>) semaphore(%arg12 : memref<!tpu.dma_semaphore, #tpu.memory_space<semaphore_mem>>)
    %dma_start3A_42 = arith.constant 3 : i32
    %dma_start3A_43 = arith.constant 3 : i32
    %dma_start3A_44 = arith.constant 0 : i32
    %dma_start3A_45 = arith.constant 0 : i32
    %dma_start3A_46 = tpu.memref_slice %arg10[%dma_start3A_43, %dma_start3A_44, %dma_start3A_45] : memref<4x128x128xf32, #tpu.memory_space<vmem>> -> memref<1x128x128xf32, #tpu.memory_space<vmem>>
    %dma_start3A_47 = tpu.memref_squeeze %dma_start3A_46 : memref<1x128x128xf32, #tpu.memory_space<vmem>> -> memref<128x128xf32, #tpu.memory_space<vmem>>
    %dma_start3A_48 = arith.constant 0 : i32
    %dma_start3A_49 = tpu.memref_slice %arg8[%dma_start3A_42, %dma_start3A_48] : memref<4x128xi32, #tpu.memory_space<vmem>> -> memref<1x128xi32, #tpu.memory_space<vmem>>
    %dma_start3A_50 = tpu.memref_squeeze %dma_start3A_49 : memref<1x128xi32, #tpu.memory_space<vmem>> -> memref<128xi32, #tpu.memory_space<vmem>>
    %dma_start3A_51 = arith.constant 0 : i32
    %dma_start3A_52 = arith.constant 0 : i32
    %dma_start3A_53 = tpu.memref_slice %arg5[%dma_start3A_51, %dma_start3A_52] : memref<1000000x128xf32, #tpu.memory_space<hbm>> -> memref<1000000x128xf32, #tpu.memory_space<hbm>>
    tpu.enqueue_indirect_dma source(%dma_start3A_53 : memref<1000000x128xf32, #tpu.memory_space<hbm>>) target(%dma_start3A_47 : memref<128x128xf32, #tpu.memory_space<vmem>>) offsets(%dma_start3A_50 : memref<128xi32, #tpu.memory_space<vmem>>) semaphore(%arg12 : memref<!tpu.dma_semaphore, #tpu.memory_space<semaphore_mem>>)
    %iota3A = tpu.iota {dimensions = array<i32: 0>} : vector<16xi32>
    %get3A = arith.constant 0 : i32
    %get3A_54 = arith.index_cast %get3A : i32 to index
    %get3A_55 = arith.constant 0 : index
    %get3A_56 = tpu.vector_load %arg9[%get3A_54, %get3A_55] {strides = array<i32>} : memref<4x128xi32, #tpu.memory_space<vmem>>, vector<1x16xi32>,
    %get3A_57 = vector.shape_cast %get3A_56 : vector<1x16xi32> to vector<16xi32>
    %add3A_58 = arith.constant 0 : i32
    %add3A_59 = arith.addi %mul3A_2, %add3A_58 : i32
    %add3A_60 = arith.constant 0 : i32
    %add3A_61 = arith.addi %add3A_59, %add3A_60 : i32
    %add3A_62 = vector.broadcast %add3A_61 : i32 to vector<16xi32>
    %add3A_63 = arith.addi %add3A_62, %iota3A : vector<16xi32>
    %mul3A_64 = arith.constant 128 : i32
    %mul3A_65 = vector.broadcast %mul3A_64 : i32 to vector<16xi32>
    %mul3A_66 = arith.muli %add3A_63, %mul3A_65 : vector<16xi32>
    %add3A_67 = arith.addi %mul3A_66, %get3A_57 : vector<16xi32>
    %swap3A = arith.constant 0 : i32
    %swap3A_68 = arith.index_cast %swap3A : i32 to index
    %swap3A_69 = arith.constant 0 : index
    %swap3A_70 = tpu.vector_load %arg9[%swap3A_68, %swap3A_69] {strides = array<i32>} : memref<4x128xi32, #tpu.memory_space<vmem>>, vector<1x16xi32>,
    %swap3A_71 = vector.shape_cast %swap3A_70 : vector<1x16xi32> to vector<16xi32>
    %swap3A_72 = vector.shape_cast %add3A_67 : vector<16xi32> to vector<1x16xi32>
    tpu.vector_store %arg9[%swap3A_68, %swap3A_69], %swap3A_72 {strides = array<i32>} : memref<4x128xi32, #tpu.memory_space<vmem>>, vector<1x16xi32>,
    %get3A_73 = arith.constant 0 : i32
    %get3A_74 = arith.index_cast %get3A_73 : i32 to index
    %get3A_75 = arith.constant 16 : index
    %get3A_76 = tpu.vector_load %arg9[%get3A_74, %get3A_75] {strides = array<i32>} : memref<4x128xi32, #tpu.memory_space<vmem>>, vector<1x16xi32>,
    %get3A_77 = vector.shape_cast %get3A_76 : vector<1x16xi32> to vector<16xi32>
    %add3A_78 = arith.constant 0 : i32
    %add3A_79 = arith.addi %mul3A_2, %add3A_78 : i32
    %add3A_80 = arith.constant 16 : i32
    %add3A_81 = arith.addi %add3A_79, %add3A_80 : i32
    %add3A_82 = vector.broadcast %add3A_81 : i32 to vector<16xi32>
    %add3A_83 = arith.addi %add3A_82, %iota3A : vector<16xi32>
    %mul3A_84 = arith.constant 128 : i32
    %mul3A_85 = vector.broadcast %mul3A_84 : i32 to vector<16xi32>
    %mul3A_86 = arith.muli %add3A_83, %mul3A_85 : vector<16xi32>
    %add3A_87 = arith.addi %mul3A_86, %get3A_77 : vector<16xi32>
    %swap3A_88 = arith.constant 0 : i32
    %swap3A_89 = arith.index_cast %swap3A_88 : i32 to index
    %swap3A_90 = arith.constant 16 : index
    %swap3A_91 = tpu.vector_load %arg9[%swap3A_89, %swap3A_90] {strides = array<i32>} : memref<4x128xi32, #tpu.memory_space<vmem>>, vector<1x16xi32>,
    %swap3A_92 = vector.shape_cast %swap3A_91 : vector<1x16xi32> to vector<16xi32>
    %swap3A_93 = vector.shape_cast %add3A_87 : vector<16xi32> to vector<1x16xi32>
    tpu.vector_store %arg9[%swap3A_89, %swap3A_90], %swap3A_93 {strides = array<i32>} : memref<4x128xi32, #tpu.memory_space<vmem>>, vector<1x16xi32>,
    %get3A_94 = arith.constant 0 : i32
    %get3A_95 = arith.index_cast %get3A_94 : i32 to index
    %get3A_96 = arith.constant 32 : index
    %get3A_97 = tpu.vector_load %arg9[%get3A_95, %get3A_96] {strides = array<i32>} : memref<4x128xi32, #tpu.memory_space<vmem>>, vector<1x16xi32>,
    %get3A_98 = vector.shape_cast %get3A_97 : vector<1x16xi32> to vector<16xi32>
    %add3A_99 = arith.constant 0 : i32
    %add3A_100 = arith.addi %mul3A_2, %add3A_99 : i32
    %add3A_101 = arith.constant 32 : i32
    %add3A_102 = arith.addi %add3A_100, %add3A_101 : i32
    %add3A_103 = vector.broadcast %add3A_102 : i32 to vector<16xi32>
    %add3A_104 = arith.addi %add3A_103, %iota3A : vector<16xi32>
    %mul3A_105 = arith.constant 128 : i32
    %mul3A_106 = vector.broadcast %mul3A_105 : i32 to vector<16xi32>
    %mul3A_107 = arith.muli %add3A_104, %mul3A_106 : vector<16xi32>
    %add3A_108 = arith.addi %mul3A_107, %get3A_98 : vector<16xi32>
    %swap3A_109 = arith.constant 0 : i32
    %swap3A_110 = arith.index_cast %swap3A_109 : i32 to index
    %swap3A_111 = arith.constant 32 : index
    %swap3A_112 = tpu.vector_load %arg9[%swap3A_110, %swap3A_111] {strides = array<i32>} : memref<4x128xi32, #tpu.memory_space<vmem>>, vector<1x16xi32>,
    %swap3A_113 = vector.shape_cast %swap3A_112 : vector<1x16xi32> to vector<16xi32>
    %swap3A_114 = vector.shape_cast %add3A_108 : vector<16xi32> to vector<1x16xi32>
    tpu.vector_store %arg9[%swap3A_110, %swap3A_111], %swap3A_114 {strides = array<i32>} : memref<4x128xi32, #tpu.memory_space<vmem>>, vector<1x16xi32>,
    %get3A_115 = arith.constant 0 : i32
    %get3A_116 = arith.index_cast %get3A_115 : i32 to index
    %get3A_117 = arith.constant 48 : index
    %get3A_118 = tpu.vector_load %arg9[%get3A_116, %get3A_117] {strides = array<i32>} : memref<4x128xi32, #tpu.memory_space<vmem>>, vector<1x16xi32>,
    %get3A_119 = vector.shape_cast %get3A_118 : vector<1x16xi32> to vector<16xi32>
    %add3A_120 = arith.constant 0 : i32
    %add3A_121 = arith.addi %mul3A_2, %add3A_120 : i32
    %add3A_122 = arith.constant 48 : i32
    %add3A_123 = arith.addi %add3A_121, %add3A_122 : i32
    %add3A_124 = vector.broadcast %add3A_123 : i32 to vector<16xi32>
    %add3A_125 = arith.addi %add3A_124, %iota3A : vector<16xi32>
    %mul3A_126 = arith.constant 128 : i32
    %mul3A_127 = vector.broadcast %mul3A_126 : i32 to vector<16xi32>
    %mul3A_128 = arith.muli %add3A_125, %mul3A_127 : vector<16xi32>
    %add3A_129 = arith.addi %mul3A_128, %get3A_119 : vector<16xi32>
    %swap3A_130 = arith.constant 0 : i32
    %swap3A_131 = arith.index_cast %swap3A_130 : i32 to index
    %swap3A_132 = arith.constant 48 : index
    %swap3A_133 = tpu.vector_load %arg9[%swap3A_131, %swap3A_132] {strides = array<i32>} : memref<4x128xi32, #tpu.memory_space<vmem>>, vector<1x16xi32>,
    %swap3A_134 = vector.shape_cast %swap3A_133 : vector<1x16xi32> to vector<16xi32>
    %swap3A_135 = vector.shape_cast %add3A_129 : vector<16xi32> to vector<1x16xi32>
    tpu.vector_store %arg9[%swap3A_131, %swap3A_132], %swap3A_135 {strides = array<i32>} : memref<4x128xi32, #tpu.memory_space<vmem>>, vector<1x16xi32>,
    %get3A_136 = arith.constant 0 : i32
    %get3A_137 = arith.index_cast %get3A_136 : i32 to index
    %get3A_138 = arith.constant 64 : index
    %get3A_139 = tpu.vector_load %arg9[%get3A_137, %get3A_138] {strides = array<i32>} : memref<4x128xi32, #tpu.memory_space<vmem>>, vector<1x16xi32>,
    %get3A_140 = vector.shape_cast %get3A_139 : vector<1x16xi32> to vector<16xi32>
    %add3A_141 = arith.constant 0 : i32
    %add3A_142 = arith.addi %mul3A_2, %add3A_141 : i32
    %add3A_143 = arith.constant 64 : i32
    %add3A_144 = arith.addi %add3A_142, %add3A_143 : i32
    %add3A_145 = vector.broadcast %add3A_144 : i32 to vector<16xi32>
    %add3A_146 = arith.addi %add3A_145, %iota3A : vector<16xi32>
    %mul3A_147 = arith.constant 128 : i32
    %mul3A_148 = vector.broadcast %mul3A_147 : i32 to vector<16xi32>
    %mul3A_149 = arith.muli %add3A_146, %mul3A_148 : vector<16xi32>
    %add3A_150 = arith.addi %mul3A_149, %get3A_140 : vector<16xi32>
    %swap3A_151 = arith.constant 0 : i32
    %swap3A_152 = arith.index_cast %swap3A_151 : i32 to index
    %swap3A_153 = arith.constant 64 : index
    %swap3A_154 = tpu.vector_load %arg9[%swap3A_152, %swap3A_153] {strides = array<i32>} : memref<4x128xi32, #tpu.memory_space<vmem>>, vector<1x16xi32>,
    %swap3A_155 = vector.shape_cast %swap3A_154 : vector<1x16xi32> to vector<16xi32>
    %swap3A_156 = vector.shape_cast %add3A_150 : vector<16xi32> to vector<1x16xi32>
    tpu.vector_store %arg9[%swap3A_152, %swap3A_153], %swap3A_156 {strides = array<i32>} : memref<4x128xi32, #tpu.memory_space<vmem>>, vector<1x16xi32>,
    %get3A_157 = arith.constant 0 : i32
    %get3A_158 = arith.index_cast %get3A_157 : i32 to index
    %get3A_159 = arith.constant 80 : index
    %get3A_160 = tpu.vector_load %arg9[%get3A_158, %get3A_159] {strides = array<i32>} : memref<4x128xi32, #tpu.memory_space<vmem>>, vector<1x16xi32>,
    %get3A_161 = vector.shape_cast %get3A_160 : vector<1x16xi32> to vector<16xi32>
    %add3A_162 = arith.constant 0 : i32
    %add3A_163 = arith.addi %mul3A_2, %add3A_162 : i32
    %add3A_164 = arith.constant 80 : i32
    %add3A_165 = arith.addi %add3A_163, %add3A_164 : i32
    %add3A_166 = vector.broadcast %add3A_165 : i32 to vector<16xi32>
    %add3A_167 = arith.addi %add3A_166, %iota3A : vector<16xi32>
    %mul3A_168 = arith.constant 128 : i32
    %mul3A_169 = vector.broadcast %mul3A_168 : i32 to vector<16xi32>
    %mul3A_170 = arith.muli %add3A_167, %mul3A_169 : vector<16xi32>
    %add3A_171 = arith.addi %mul3A_170, %get3A_161 : vector<16xi32>
    %swap3A_172 = arith.constant 0 : i32
    %swap3A_173 = arith.index_cast %swap3A_172 : i32 to index
    %swap3A_174 = arith.constant 80 : index
    %swap3A_175 = tpu.vector_load %arg9[%swap3A_173, %swap3A_174] {strides = array<i32>} : memref<4x128xi32, #tpu.memory_space<vmem>>, vector<1x16xi32>,
    %swap3A_176 = vector.shape_cast %swap3A_175 : vector<1x16xi32> to vector<16xi32>
    %swap3A_177 = vector.shape_cast %add3A_171 : vector<16xi32> to vector<1x16xi32>
    tpu.vector_store %arg9[%swap3A_173, %swap3A_174], %swap3A_177 {strides = array<i32>} : memref<4x128xi32, #tpu.memory_space<vmem>>, vector<1x16xi32>,
    %get3A_178 = arith.constant 0 : i32
    %get3A_179 = arith.index_cast %get3A_178 : i32 to index
    %get3A_180 = arith.constant 96 : index
    %get3A_181 = tpu.vector_load %arg9[%get3A_179, %get3A_180] {strides = array<i32>} : memref<4x128xi32, #tpu.memory_space<vmem>>, vector<1x16xi32>,
    %get3A_182 = vector.shape_cast %get3A_181 : vector<1x16xi32> to vector<16xi32>
    %add3A_183 = arith.constant 0 : i32
    %add3A_184 = arith.addi %mul3A_2, %add3A_183 : i32
    %add3A_185 = arith.constant 96 : i32
    %add3A_186 = arith.addi %add3A_184, %add3A_185 : i32
    %add3A_187 = vector.broadcast %add3A_186 : i32 to vector<16xi32>
    %add3A_188 = arith.addi %add3A_187, %iota3A : vector<16xi32>
    %mul3A_189 = arith.constant 128 : i32
    %mul3A_190 = vector.broadcast %mul3A_189 : i32 to vector<16xi32>
    %mul3A_191 = arith.muli %add3A_188, %mul3A_190 : vector<16xi32>
    %add3A_192 = arith.addi %mul3A_191, %get3A_182 : vector<16xi32>
    %swap3A_193 = arith.constant 0 : i32
    %swap3A_194 = arith.index_cast %swap3A_193 : i32 to index
    %swap3A_195 = arith.constant 96 : index
    %swap3A_196 = tpu.vector_load %arg9[%swap3A_194, %swap3A_195] {strides = array<i32>} : memref<4x128xi32, #tpu.memory_space<vmem>>, vector<1x16xi32>,
    %swap3A_197 = vector.shape_cast %swap3A_196 : vector<1x16xi32> to vector<16xi32>
    %swap3A_198 = vector.shape_cast %add3A_192 : vector<16xi32> to vector<1x16xi32>
    tpu.vector_store %arg9[%swap3A_194, %swap3A_195], %swap3A_198 {strides = array<i32>} : memref<4x128xi32, #tpu.memory_space<vmem>>, vector<1x16xi32>,
    %get3A_199 = arith.constant 0 : i32
    %get3A_200 = arith.index_cast %get3A_199 : i32 to index
    %get3A_201 = arith.constant 112 : index
    %get3A_202 = tpu.vector_load %arg9[%get3A_200, %get3A_201] {strides = array<i32>} : memref<4x128xi32, #tpu.memory_space<vmem>>, vector<1x16xi32>,
    %get3A_203 = vector.shape_cast %get3A_202 : vector<1x16xi32> to vector<16xi32>
    %add3A_204 = arith.constant 0 : i32
    %add3A_205 = arith.addi %mul3A_2, %add3A_204 : i32
    %add3A_206 = arith.constant 112 : i32
    %add3A_207 = arith.addi %add3A_205, %add3A_206 : i32
    %add3A_208 = vector.broadcast %add3A_207 : i32 to vector<16xi32>
    %add3A_209 = arith.addi %add3A_208, %iota3A : vector<16xi32>
    %mul3A_210 = arith.constant 128 : i32
    %mul3A_211 = vector.broadcast %mul3A_210 : i32 to vector<16xi32>
    %mul3A_212 = arith.muli %add3A_209, %mul3A_211 : vector<16xi32>
    %add3A_213 = arith.addi %mul3A_212, %get3A_203 : vector<16xi32>
    %swap3A_214 = arith.constant 0 : i32
    %swap3A_215 = arith.index_cast %swap3A_214 : i32 to index
    %swap3A_216 = arith.constant 112 : index
    %swap3A_217 = tpu.vector_load %arg9[%swap3A_215, %swap3A_216] {strides = array<i32>} : memref<4x128xi32, #tpu.memory_space<vmem>>, vector<1x16xi32>,
    %swap3A_218 = vector.shape_cast %swap3A_217 : vector<1x16xi32> to vector<16xi32>
    %swap3A_219 = vector.shape_cast %add3A_213 : vector<16xi32> to vector<1x16xi32>
    tpu.vector_store %arg9[%swap3A_215, %swap3A_216], %swap3A_219 {strides = array<i32>} : memref<4x128xi32, #tpu.memory_space<vmem>>, vector<1x16xi32>,
    %get3A_220 = arith.constant 1 : i32
    %get3A_221 = arith.index_cast %get3A_220 : i32 to index
    %get3A_222 = arith.constant 0 : index
    %get3A_223 = tpu.vector_load %arg9[%get3A_221, %get3A_222] {strides = array<i32>} : memref<4x128xi32, #tpu.memory_space<vmem>>, vector<1x16xi32>,
    %get3A_224 = vector.shape_cast %get3A_223 : vector<1x16xi32> to vector<16xi32>
    %add3A_225 = arith.constant 128 : i32
    %add3A_226 = arith.addi %mul3A_2, %add3A_225 : i32
    %add3A_227 = arith.constant 0 : i32
    %add3A_228 = arith.addi %add3A_226, %add3A_227 : i32
    %add3A_229 = vector.broadcast %add3A_228 : i32 to vector<16xi32>
    %add3A_230 = arith.addi %add3A_229, %iota3A : vector<16xi32>
    %mul3A_231 = arith.constant 128 : i32
    %mul3A_232 = vector.broadcast %mul3A_231 : i32 to vector<16xi32>
    %mul3A_233 = arith.muli %add3A_230, %mul3A_232 : vector<16xi32>
    %add3A_234 = arith.addi %mul3A_233, %get3A_224 : vector<16xi32>
    %swap3A_235 = arith.constant 1 : i32
    %swap3A_236 = arith.index_cast %swap3A_235 : i32 to index
    %swap3A_237 = arith.constant 0 : index
    %swap3A_238 = tpu.vector_load %arg9[%swap3A_236, %swap3A_237] {strides = array<i32>} : memref<4x128xi32, #tpu.memory_space<vmem>>, vector<1x16xi32>,
    %swap3A_239 = vector.shape_cast %swap3A_238 : vector<1x16xi32> to vector<16xi32>
    %swap3A_240 = vector.shape_cast %add3A_234 : vector<16xi32> to vector<1x16xi32>
    tpu.vector_store %arg9[%swap3A_236, %swap3A_237], %swap3A_240 {strides = array<i32>} : memref<4x128xi32, #tpu.memory_space<vmem>>, vector<1x16xi32>,
    %get3A_241 = arith.constant 1 : i32
    %get3A_242 = arith.index_cast %get3A_241 : i32 to index
    %get3A_243 = arith.constant 16 : index
    %get3A_244 = tpu.vector_load %arg9[%get3A_242, %get3A_243] {strides = array<i32>} : memref<4x128xi32, #tpu.memory_space<vmem>>, vector<1x16xi32>,
    %get3A_245 = vector.shape_cast %get3A_244 : vector<1x16xi32> to vector<16xi32>
    %add3A_246 = arith.constant 128 : i32
    %add3A_247 = arith.addi %mul3A_2, %add3A_246 : i32
    %add3A_248 = arith.constant 16 : i32
    %add3A_249 = arith.addi %add3A_247, %add3A_248 : i32
    %add3A_250 = vector.broadcast %add3A_249 : i32 to vector<16xi32>
    %add3A_251 = arith.addi %add3A_250, %iota3A : vector<16xi32>
    %mul3A_252 = arith.constant 128 : i32
    %mul3A_253 = vector.broadcast %mul3A_252 : i32 to vector<16xi32>
    %mul3A_254 = arith.muli %add3A_251, %mul3A_253 : vector<16xi32>
    %add3A_255 = arith.addi %mul3A_254, %get3A_245 : vector<16xi32>
    %swap3A_256 = arith.constant 1 : i32
    %swap3A_257 = arith.index_cast %swap3A_256 : i32 to index
    %swap3A_258 = arith.constant 16 : index
    %swap3A_259 = tpu.vector_load %arg9[%swap3A_257, %swap3A_258] {strides = array<i32>} : memref<4x128xi32, #tpu.memory_space<vmem>>, vector<1x16xi32>,
    %swap3A_260 = vector.shape_cast %swap3A_259 : vector<1x16xi32> to vector<16xi32>
    %swap3A_261 = vector.shape_cast %add3A_255 : vector<16xi32> to vector<1x16xi32>
    tpu.vector_store %arg9[%swap3A_257, %swap3A_258], %swap3A_261 {strides = array<i32>} : memref<4x128xi32, #tpu.memory_space<vmem>>, vector<1x16xi32>,
    %get3A_262 = arith.constant 1 : i32
    %get3A_263 = arith.index_cast %get3A_262 : i32 to index
    %get3A_264 = arith.constant 32 : index
    %get3A_265 = tpu.vector_load %arg9[%get3A_263, %get3A_264] {strides = array<i32>} : memref<4x128xi32, #tpu.memory_space<vmem>>, vector<1x16xi32>,
    %get3A_266 = vector.shape_cast %get3A_265 : vector<1x16xi32> to vector<16xi32>
    %add3A_267 = arith.constant 128 : i32
    %add3A_268 = arith.addi %mul3A_2, %add3A_267 : i32
    %add3A_269 = arith.constant 32 : i32
    %add3A_270 = arith.addi %add3A_268, %add3A_269 : i32
    %add3A_271 = vector.broadcast %add3A_270 : i32 to vector<16xi32>
    %add3A_272 = arith.addi %add3A_271, %iota3A : vector<16xi32>
    %mul3A_273 = arith.constant 128 : i32
    %mul3A_274 = vector.broadcast %mul3A_273 : i32 to vector<16xi32>
    %mul3A_275 = arith.muli %add3A_272, %mul3A_274 : vector<16xi32>
    %add3A_276 = arith.addi %mul3A_275, %get3A_266 : vector<16xi32>
    %swap3A_277 = arith.constant 1 : i32
    %swap3A_278 = arith.index_cast %swap3A_277 : i32 to index
    %swap3A_279 = arith.constant 32 : index
    %swap3A_280 = tpu.vector_load %arg9[%swap3A_278, %swap3A_279] {strides = array<i32>} : memref<4x128xi32, #tpu.memory_space<vmem>>, vector<1x16xi32>,
    %swap3A_281 = vector.shape_cast %swap3A_280 : vector<1x16xi32> to vector<16xi32>
    %swap3A_282 = vector.shape_cast %add3A_276 : vector<16xi32> to vector<1x16xi32>
    tpu.vector_store %arg9[%swap3A_278, %swap3A_279], %swap3A_282 {strides = array<i32>} : memref<4x128xi32, #tpu.memory_space<vmem>>, vector<1x16xi32>,
    %get3A_283 = arith.constant 1 : i32
    %get3A_284 = arith.index_cast %get3A_283 : i32 to index
    %get3A_285 = arith.constant 48 : index
    %get3A_286 = tpu.vector_load %arg9[%get3A_284, %get3A_285] {strides = array<i32>} : memref<4x128xi32, #tpu.memory_space<vmem>>, vector<1x16xi32>,
    %get3A_287 = vector.shape_cast %get3A_286 : vector<1x16xi32> to vector<16xi32>
    %add3A_288 = arith.constant 128 : i32
    %add3A_289 = arith.addi %mul3A_2, %add3A_288 : i32
    %add3A_290 = arith.constant 48 : i32
    %add3A_291 = arith.addi %add3A_289, %add3A_290 : i32
    %add3A_292 = vector.broadcast %add3A_291 : i32 to vector<16xi32>
    %add3A_293 = arith.addi %add3A_292, %iota3A : vector<16xi32>
    %mul3A_294 = arith.constant 128 : i32
    %mul3A_295 = vector.broadcast %mul3A_294 : i32 to vector<16xi32>
    %mul3A_296 = arith.muli %add3A_293, %mul3A_295 : vector<16xi32>
    %add3A_297 = arith.addi %mul3A_296, %get3A_287 : vector<16xi32>
    %swap3A_298 = arith.constant 1 : i32
    %swap3A_299 = arith.index_cast %swap3A_298 : i32 to index
    %swap3A_300 = arith.constant 48 : index
    %swap3A_301 = tpu.vector_load %arg9[%swap3A_299, %swap3A_300] {strides = array<i32>} : memref<4x128xi32, #tpu.memory_space<vmem>>, vector<1x16xi32>,
    %swap3A_302 = vector.shape_cast %swap3A_301 : vector<1x16xi32> to vector<16xi32>
    %swap3A_303 = vector.shape_cast %add3A_297 : vector<16xi32> to vector<1x16xi32>
    tpu.vector_store %arg9[%swap3A_299, %swap3A_300], %swap3A_303 {strides = array<i32>} : memref<4x128xi32, #tpu.memory_space<vmem>>, vector<1x16xi32>,
    %get3A_304 = arith.constant 1 : i32
    %get3A_305 = arith.index_cast %get3A_304 : i32 to index
    %get3A_306 = arith.constant 64 : index
    %get3A_307 = tpu.vector_load %arg9[%get3A_305, %get3A_306] {strides = array<i32>} : memref<4x128xi32, #tpu.memory_space<vmem>>, vector<1x16xi32>,
    %get3A_308 = vector.shape_cast %get3A_307 : vector<1x16xi32> to vector<16xi32>
    %add3A_309 = arith.constant 128 : i32
    %add3A_310 = arith.addi %mul3A_2, %add3A_309 : i32
    %add3A_311 = arith.constant 64 : i32
    %add3A_312 = arith.addi %add3A_310, %add3A_311 : i32
    %add3A_313 = vector.broadcast %add3A_312 : i32 to vector<16xi32>
    %add3A_314 = arith.addi %add3A_313, %iota3A : vector<16xi32>
    %mul3A_315 = arith.constant 128 : i32
    %mul3A_316 = vector.broadcast %mul3A_315 : i32 to vector<16xi32>
    %mul3A_317 = arith.muli %add3A_314, %mul3A_316 : vector<16xi32>
    %add3A_318 = arith.addi %mul3A_317, %get3A_308 : vector<16xi32>
    %swap3A_319 = arith.constant 1 : i32
    %swap3A_320 = arith.index_cast %swap3A_319 : i32 to index
    %swap3A_321 = arith.constant 64 : index
    %swap3A_322 = tpu.vector_load %arg9[%swap3A_320, %swap3A_321] {strides = array<i32>} : memref<4x128xi32, #tpu.memory_space<vmem>>, vector<1x16xi32>,
    %swap3A_323 = vector.shape_cast %swap3A_322 : vector<1x16xi32> to vector<16xi32>
    %swap3A_324 = vector.shape_cast %add3A_318 : vector<16xi32> to vector<1x16xi32>
    tpu.vector_store %arg9[%swap3A_320, %swap3A_321], %swap3A_324 {strides = array<i32>} : memref<4x128xi32, #tpu.memory_space<vmem>>, vector<1x16xi32>,
    %get3A_325 = arith.constant 1 : i32
    %get3A_326 = arith.index_cast %get3A_325 : i32 to index
    %get3A_327 = arith.constant 80 : index
    %get3A_328 = tpu.vector_load %arg9[%get3A_326, %get3A_327] {strides = array<i32>} : memref<4x128xi32, #tpu.memory_space<vmem>>, vector<1x16xi32>,
    %get3A_329 = vector.shape_cast %get3A_328 : vector<1x16xi32> to vector<16xi32>
    %add3A_330 = arith.constant 128 : i32
    %add3A_331 = arith.addi %mul3A_2, %add3A_330 : i32
    %add3A_332 = arith.constant 80 : i32
    %add3A_333 = arith.addi %add3A_331, %add3A_332 : i32
    %add3A_334 = vector.broadcast %add3A_333 : i32 to vector<16xi32>
    %add3A_335 = arith.addi %add3A_334, %iota3A : vector<16xi32>
    %mul3A_336 = arith.constant 128 : i32
    %mul3A_337 = vector.broadcast %mul3A_336 : i32 to vector<16xi32>
    %mul3A_338 = arith.muli %add3A_335, %mul3A_337 : vector<16xi32>
    %add3A_339 = arith.addi %mul3A_338, %get3A_329 : vector<16xi32>
    %swap3A_340 = arith.constant 1 : i32
    %swap3A_341 = arith.index_cast %swap3A_340 : i32 to index
    %swap3A_342 = arith.constant 80 : index
    %swap3A_343 = tpu.vector_load %arg9[%swap3A_341, %swap3A_342] {strides = array<i32>} : memref<4x128xi32, #tpu.memory_space<vmem>>, vector<1x16xi32>,
    %swap3A_344 = vector.shape_cast %swap3A_343 : vector<1x16xi32> to vector<16xi32>
    %swap3A_345 = vector.shape_cast %add3A_339 : vector<16xi32> to vector<1x16xi32>
    tpu.vector_store %arg9[%swap3A_341, %swap3A_342], %swap3A_345 {strides = array<i32>} : memref<4x128xi32, #tpu.memory_space<vmem>>, vector<1x16xi32>,
    %get3A_346 = arith.constant 1 : i32
    %get3A_347 = arith.index_cast %get3A_346 : i32 to index
    %get3A_348 = arith.constant 96 : index
    %get3A_349 = tpu.vector_load %arg9[%get3A_347, %get3A_348] {strides = array<i32>} : memref<4x128xi32, #tpu.memory_space<vmem>>, vector<1x16xi32>,
    %get3A_350 = vector.shape_cast %get3A_349 : vector<1x16xi32> to vector<16xi32>
    %add3A_351 = arith.constant 128 : i32
    %add3A_352 = arith.addi %mul3A_2, %add3A_351 : i32
    %add3A_353 = arith.constant 96 : i32
    %add3A_354 = arith.addi %add3A_352, %add3A_353 : i32
    %add3A_355 = vector.broadcast %add3A_354 : i32 to vector<16xi32>
    %add3A_356 = arith.addi %add3A_355, %iota3A : vector<16xi32>
    %mul3A_357 = arith.constant 128 : i32
    %mul3A_358 = vector.broadcast %mul3A_357 : i32 to vector<16xi32>
    %mul3A_359 = arith.muli %add3A_356, %mul3A_358 : vector<16xi32>
    %add3A_360 = arith.addi %mul3A_359, %get3A_350 : vector<16xi32>
    %swap3A_361 = arith.constant 1 : i32
    %swap3A_362 = arith.index_cast %swap3A_361 : i32 to index
    %swap3A_363 = arith.constant 96 : index
    %swap3A_364 = tpu.vector_load %arg9[%swap3A_362, %swap3A_363] {strides = array<i32>} : memref<4x128xi32, #tpu.memory_space<vmem>>, vector<1x16xi32>,
    %swap3A_365 = vector.shape_cast %swap3A_364 : vector<1x16xi32> to vector<16xi32>
    %swap3A_366 = vector.shape_cast %add3A_360 : vector<16xi32> to vector<1x16xi32>
    tpu.vector_store %arg9[%swap3A_362, %swap3A_363], %swap3A_366 {strides = array<i32>} : memref<4x128xi32, #tpu.memory_space<vmem>>, vector<1x16xi32>,
    %get3A_367 = arith.constant 1 : i32
    %get3A_368 = arith.index_cast %get3A_367 : i32 to index
    %get3A_369 = arith.constant 112 : index
    %get3A_370 = tpu.vector_load %arg9[%get3A_368, %get3A_369] {strides = array<i32>} : memref<4x128xi32, #tpu.memory_space<vmem>>, vector<1x16xi32>,
    %get3A_371 = vector.shape_cast %get3A_370 : vector<1x16xi32> to vector<16xi32>
    %add3A_372 = arith.constant 128 : i32
    %add3A_373 = arith.addi %mul3A_2, %add3A_372 : i32
    %add3A_374 = arith.constant 112 : i32
    %add3A_375 = arith.addi %add3A_373, %add3A_374 : i32
    %add3A_376 = vector.broadcast %add3A_375 : i32 to vector<16xi32>
    %add3A_377 = arith.addi %add3A_376, %iota3A : vector<16xi32>
    %mul3A_378 = arith.constant 128 : i32
    %mul3A_379 = vector.broadcast %mul3A_378 : i32 to vector<16xi32>
    %mul3A_380 = arith.muli %add3A_377, %mul3A_379 : vector<16xi32>
    %add3A_381 = arith.addi %mul3A_380, %get3A_371 : vector<16xi32>
    %swap3A_382 = arith.constant 1 : i32
    %swap3A_383 = arith.index_cast %swap3A_382 : i32 to index
    %swap3A_384 = arith.constant 112 : index
    %swap3A_385 = tpu.vector_load %arg9[%swap3A_383, %swap3A_384] {strides = array<i32>} : memref<4x128xi32, #tpu.memory_space<vmem>>, vector<1x16xi32>,
    %swap3A_386 = vector.shape_cast %swap3A_385 : vector<1x16xi32> to vector<16xi32>
    %swap3A_387 = vector.shape_cast %add3A_381 : vector<16xi32> to vector<1x16xi32>
    tpu.vector_store %arg9[%swap3A_383, %swap3A_384], %swap3A_387 {strides = array<i32>} : memref<4x128xi32, #tpu.memory_space<vmem>>, vector<1x16xi32>,
    %get3A_388 = arith.constant 2 : i32
    %get3A_389 = arith.index_cast %get3A_388 : i32 to index
    %get3A_390 = arith.constant 0 : index
    %get3A_391 = tpu.vector_load %arg9[%get3A_389, %get3A_390] {strides = array<i32>} : memref<4x128xi32, #tpu.memory_space<vmem>>, vector<1x16xi32>,
    %get3A_392 = vector.shape_cast %get3A_391 : vector<1x16xi32> to vector<16xi32>
    %add3A_393 = arith.constant 256 : i32
    %add3A_394 = arith.addi %mul3A_2, %add3A_393 : i32
    %add3A_395 = arith.constant 0 : i32
    %add3A_396 = arith.addi %add3A_394, %add3A_395 : i32
    %add3A_397 = vector.broadcast %add3A_396 : i32 to vector<16xi32>
    %add3A_398 = arith.addi %add3A_397, %iota3A : vector<16xi32>
    %mul3A_399 = arith.constant 128 : i32
    %mul3A_400 = vector.broadcast %mul3A_399 : i32 to vector<16xi32>
    %mul3A_401 = arith.muli %add3A_398, %mul3A_400 : vector<16xi32>
    %add3A_402 = arith.addi %mul3A_401, %get3A_392 : vector<16xi32>
    %swap3A_403 = arith.constant 2 : i32
    %swap3A_404 = arith.index_cast %swap3A_403 : i32 to index
    %swap3A_405 = arith.constant 0 : index
    %swap3A_406 = tpu.vector_load %arg9[%swap3A_404, %swap3A_405] {strides = array<i32>} : memref<4x128xi32, #tpu.memory_space<vmem>>, vector<1x16xi32>,
    %swap3A_407 = vector.shape_cast %swap3A_406 : vector<1x16xi32> to vector<16xi32>
    %swap3A_408 = vector.shape_cast %add3A_402 : vector<16xi32> to vector<1x16xi32>
    tpu.vector_store %arg9[%swap3A_404, %swap3A_405], %swap3A_408 {strides = array<i32>} : memref<4x128xi32, #tpu.memory_space<vmem>>, vector<1x16xi32>,
    %get3A_409 = arith.constant 2 : i32
    %get3A_410 = arith.index_cast %get3A_409 : i32 to index
    %get3A_411 = arith.constant 16 : index
    %get3A_412 = tpu.vector_load %arg9[%get3A_410, %get3A_411] {strides = array<i32>} : memref<4x128xi32, #tpu.memory_space<vmem>>, vector<1x16xi32>,
    %get3A_413 = vector.shape_cast %get3A_412 : vector<1x16xi32> to vector<16xi32>
    %add3A_414 = arith.constant 256 : i32
    %add3A_415 = arith.addi %mul3A_2, %add3A_414 : i32
    %add3A_416 = arith.constant 16 : i32
    %add3A_417 = arith.addi %add3A_415, %add3A_416 : i32
    %add3A_418 = vector.broadcast %add3A_417 : i32 to vector<16xi32>
    %add3A_419 = arith.addi %add3A_418, %iota3A : vector<16xi32>
    %mul3A_420 = arith.constant 128 : i32
    %mul3A_421 = vector.broadcast %mul3A_420 : i32 to vector<16xi32>
    %mul3A_422 = arith.muli %add3A_419, %mul3A_421 : vector<16xi32>
    %add3A_423 = arith.addi %mul3A_422, %get3A_413 : vector<16xi32>
    %swap3A_424 = arith.constant 2 : i32
    %swap3A_425 = arith.index_cast %swap3A_424 : i32 to index
    %swap3A_426 = arith.constant 16 : index
    %swap3A_427 = tpu.vector_load %arg9[%swap3A_425, %swap3A_426] {strides = array<i32>} : memref<4x128xi32, #tpu.memory_space<vmem>>, vector<1x16xi32>,
    %swap3A_428 = vector.shape_cast %swap3A_427 : vector<1x16xi32> to vector<16xi32>
    %swap3A_429 = vector.shape_cast %add3A_423 : vector<16xi32> to vector<1x16xi32>
    tpu.vector_store %arg9[%swap3A_425, %swap3A_426], %swap3A_429 {strides = array<i32>} : memref<4x128xi32, #tpu.memory_space<vmem>>, vector<1x16xi32>,
    %get3A_430 = arith.constant 2 : i32
    %get3A_431 = arith.index_cast %get3A_430 : i32 to index
    %get3A_432 = arith.constant 32 : index
    %get3A_433 = tpu.vector_load %arg9[%get3A_431, %get3A_432] {strides = array<i32>} : memref<4x128xi32, #tpu.memory_space<vmem>>, vector<1x16xi32>,
    %get3A_434 = vector.shape_cast %get3A_433 : vector<1x16xi32> to vector<16xi32>
    %add3A_435 = arith.constant 256 : i32
    %add3A_436 = arith.addi %mul3A_2, %add3A_435 : i32
    %add3A_437 = arith.constant 32 : i32
    %add3A_438 = arith.addi %add3A_436, %add3A_437 : i32
    %add3A_439 = vector.broadcast %add3A_438 : i32 to vector<16xi32>
    %add3A_440 = arith.addi %add3A_439, %iota3A : vector<16xi32>
    %mul3A_441 = arith.constant 128 : i32
    %mul3A_442 = vector.broadcast %mul3A_441 : i32 to vector<16xi32>
    %mul3A_443 = arith.muli %add3A_440, %mul3A_442 : vector<16xi32>
    %add3A_444 = arith.addi %mul3A_443, %get3A_434 : vector<16xi32>
    %swap3A_445 = arith.constant 2 : i32
    %swap3A_446 = arith.index_cast %swap3A_445 : i32 to index
    %swap3A_447 = arith.constant 32 : index
    %swap3A_448 = tpu.vector_load %arg9[%swap3A_446, %swap3A_447] {strides = array<i32>} : memref<4x128xi32, #tpu.memory_space<vmem>>, vector<1x16xi32>,
    %swap3A_449 = vector.shape_cast %swap3A_448 : vector<1x16xi32> to vector<16xi32>
    %swap3A_450 = vector.shape_cast %add3A_444 : vector<16xi32> to vector<1x16xi32>
    tpu.vector_store %arg9[%swap3A_446, %swap3A_447], %swap3A_450 {strides = array<i32>} : memref<4x128xi32, #tpu.memory_space<vmem>>, vector<1x16xi32>,
    %get3A_451 = arith.constant 2 : i32
    %get3A_452 = arith.index_cast %get3A_451 : i32 to index
    %get3A_453 = arith.constant 48 : index
    %get3A_454 = tpu.vector_load %arg9[%get3A_452, %get3A_453] {strides = array<i32>} : memref<4x128xi32, #tpu.memory_space<vmem>>, vector<1x16xi32>,
    %get3A_455 = vector.shape_cast %get3A_454 : vector<1x16xi32> to vector<16xi32>
    %add3A_456 = arith.constant 256 : i32
    %add3A_457 = arith.addi %mul3A_2, %add3A_456 : i32
    %add3A_458 = arith.constant 48 : i32
    %add3A_459 = arith.addi %add3A_457, %add3A_458 : i32
    %add3A_460 = vector.broadcast %add3A_459 : i32 to vector<16xi32>
    %add3A_461 = arith.addi %add3A_460, %iota3A : vector<16xi32>
    %mul3A_462 = arith.constant 128 : i32
    %mul3A_463 = vector.broadcast %mul3A_462 : i32 to vector<16xi32>
    %mul3A_464 = arith.muli %add3A_461, %mul3A_463 : vector<16xi32>
    %add3A_465 = arith.addi %mul3A_464, %get3A_455 : vector<16xi32>
    %swap3A_466 = arith.constant 2 : i32
    %swap3A_467 = arith.index_cast %swap3A_466 : i32 to index
    %swap3A_468 = arith.constant 48 : index
    %swap3A_469 = tpu.vector_load %arg9[%swap3A_467, %swap3A_468] {strides = array<i32>} : memref<4x128xi32, #tpu.memory_space<vmem>>, vector<1x16xi32>,
    %swap3A_470 = vector.shape_cast %swap3A_469 : vector<1x16xi32> to vector<16xi32>
    %swap3A_471 = vector.shape_cast %add3A_465 : vector<16xi32> to vector<1x16xi32>
    tpu.vector_store %arg9[%swap3A_467, %swap3A_468], %swap3A_471 {strides = array<i32>} : memref<4x128xi32, #tpu.memory_space<vmem>>, vector<1x16xi32>,
    %get3A_472 = arith.constant 2 : i32
    %get3A_473 = arith.index_cast %get3A_472 : i32 to index
    %get3A_474 = arith.constant 64 : index
    %get3A_475 = tpu.vector_load %arg9[%get3A_473, %get3A_474] {strides = array<i32>} : memref<4x128xi32, #tpu.memory_space<vmem>>, vector<1x16xi32>,
    %get3A_476 = vector.shape_cast %get3A_475 : vector<1x16xi32> to vector<16xi32>
    %add3A_477 = arith.constant 256 : i32
    %add3A_478 = arith.addi %mul3A_2, %add3A_477 : i32
    %add3A_479 = arith.constant 64 : i32
    %add3A_480 = arith.addi %add3A_478, %add3A_479 : i32
    %add3A_481 = vector.broadcast %add3A_480 : i32 to vector<16xi32>
    %add3A_482 = arith.addi %add3A_481, %iota3A : vector<16xi32>
    %mul3A_483 = arith.constant 128 : i32
    %mul3A_484 = vector.broadcast %mul3A_483 : i32 to vector<16xi32>
    %mul3A_485 = arith.muli %add3A_482, %mul3A_484 : vector<16xi32>
    %add3A_486 = arith.addi %mul3A_485, %get3A_476 : vector<16xi32>
    %swap3A_487 = arith.constant 2 : i32
    %swap3A_488 = arith.index_cast %swap3A_487 : i32 to index
    %swap3A_489 = arith.constant 64 : index
    %swap3A_490 = tpu.vector_load %arg9[%swap3A_488, %swap3A_489] {strides = array<i32>} : memref<4x128xi32, #tpu.memory_space<vmem>>, vector<1x16xi32>,
    %swap3A_491 = vector.shape_cast %swap3A_490 : vector<1x16xi32> to vector<16xi32>
    %swap3A_492 = vector.shape_cast %add3A_486 : vector<16xi32> to vector<1x16xi32>
    tpu.vector_store %arg9[%swap3A_488, %swap3A_489], %swap3A_492 {strides = array<i32>} : memref<4x128xi32, #tpu.memory_space<vmem>>, vector<1x16xi32>,
    %get3A_493 = arith.constant 2 : i32
    %get3A_494 = arith.index_cast %get3A_493 : i32 to index
    %get3A_495 = arith.constant 80 : index
    %get3A_496 = tpu.vector_load %arg9[%get3A_494, %get3A_495] {strides = array<i32>} : memref<4x128xi32, #tpu.memory_space<vmem>>, vector<1x16xi32>,
    %get3A_497 = vector.shape_cast %get3A_496 : vector<1x16xi32> to vector<16xi32>
    %add3A_498 = arith.constant 256 : i32
    %add3A_499 = arith.addi %mul3A_2, %add3A_498 : i32
    %add3A_500 = arith.constant 80 : i32
    %add3A_501 = arith.addi %add3A_499, %add3A_500 : i32
    %add3A_502 = vector.broadcast %add3A_501 : i32 to vector<16xi32>
    %add3A_503 = arith.addi %add3A_502, %iota3A : vector<16xi32>
    %mul3A_504 = arith.constant 128 : i32
    %mul3A_505 = vector.broadcast %mul3A_504 : i32 to vector<16xi32>
    %mul3A_506 = arith.muli %add3A_503, %mul3A_505 : vector<16xi32>
    %add3A_507 = arith.addi %mul3A_506, %get3A_497 : vector<16xi32>
    %swap3A_508 = arith.constant 2 : i32
    %swap3A_509 = arith.index_cast %swap3A_508 : i32 to index
    %swap3A_510 = arith.constant 80 : index
    %swap3A_511 = tpu.vector_load %arg9[%swap3A_509, %swap3A_510] {strides = array<i32>} : memref<4x128xi32, #tpu.memory_space<vmem>>, vector<1x16xi32>,
    %swap3A_512 = vector.shape_cast %swap3A_511 : vector<1x16xi32> to vector<16xi32>
    %swap3A_513 = vector.shape_cast %add3A_507 : vector<16xi32> to vector<1x16xi32>
    tpu.vector_store %arg9[%swap3A_509, %swap3A_510], %swap3A_513 {strides = array<i32>} : memref<4x128xi32, #tpu.memory_space<vmem>>, vector<1x16xi32>,
    %get3A_514 = arith.constant 2 : i32
    %get3A_515 = arith.index_cast %get3A_514 : i32 to index
    %get3A_516 = arith.constant 96 : index
    %get3A_517 = tpu.vector_load %arg9[%get3A_515, %get3A_516] {strides = array<i32>} : memref<4x128xi32, #tpu.memory_space<vmem>>, vector<1x16xi32>,
    %get3A_518 = vector.shape_cast %get3A_517 : vector<1x16xi32> to vector<16xi32>
    %add3A_519 = arith.constant 256 : i32
    %add3A_520 = arith.addi %mul3A_2, %add3A_519 : i32
    %add3A_521 = arith.constant 96 : i32
    %add3A_522 = arith.addi %add3A_520, %add3A_521 : i32
    %add3A_523 = vector.broadcast %add3A_522 : i32 to vector<16xi32>
    %add3A_524 = arith.addi %add3A_523, %iota3A : vector<16xi32>
    %mul3A_525 = arith.constant 128 : i32
    %mul3A_526 = vector.broadcast %mul3A_525 : i32 to vector<16xi32>
    %mul3A_527 = arith.muli %add3A_524, %mul3A_526 : vector<16xi32>
    %add3A_528 = arith.addi %mul3A_527, %get3A_518 : vector<16xi32>
    %swap3A_529 = arith.constant 2 : i32
    %swap3A_530 = arith.index_cast %swap3A_529 : i32 to index
    %swap3A_531 = arith.constant 96 : index
    %swap3A_532 = tpu.vector_load %arg9[%swap3A_530, %swap3A_531] {strides = array<i32>} : memref<4x128xi32, #tpu.memory_space<vmem>>, vector<1x16xi32>,
    %swap3A_533 = vector.shape_cast %swap3A_532 : vector<1x16xi32> to vector<16xi32>
    %swap3A_534 = vector.shape_cast %add3A_528 : vector<16xi32> to vector<1x16xi32>
    tpu.vector_store %arg9[%swap3A_530, %swap3A_531], %swap3A_534 {strides = array<i32>} : memref<4x128xi32, #tpu.memory_space<vmem>>, vector<1x16xi32>,
    %get3A_535 = arith.constant 2 : i32
    %get3A_536 = arith.index_cast %get3A_535 : i32 to index
    %get3A_537 = arith.constant 112 : index
    %get3A_538 = tpu.vector_load %arg9[%get3A_536, %get3A_537] {strides = array<i32>} : memref<4x128xi32, #tpu.memory_space<vmem>>, vector<1x16xi32>,
    %get3A_539 = vector.shape_cast %get3A_538 : vector<1x16xi32> to vector<16xi32>
    %add3A_540 = arith.constant 256 : i32
    %add3A_541 = arith.addi %mul3A_2, %add3A_540 : i32
    %add3A_542 = arith.constant 112 : i32
    %add3A_543 = arith.addi %add3A_541, %add3A_542 : i32
    %add3A_544 = vector.broadcast %add3A_543 : i32 to vector<16xi32>
    %add3A_545 = arith.addi %add3A_544, %iota3A : vector<16xi32>
    %mul3A_546 = arith.constant 128 : i32
    %mul3A_547 = vector.broadcast %mul3A_546 : i32 to vector<16xi32>
    %mul3A_548 = arith.muli %add3A_545, %mul3A_547 : vector<16xi32>
    %add3A_549 = arith.addi %mul3A_548, %get3A_539 : vector<16xi32>
    %swap3A_550 = arith.constant 2 : i32
    %swap3A_551 = arith.index_cast %swap3A_550 : i32 to index
    %swap3A_552 = arith.constant 112 : index
    %swap3A_553 = tpu.vector_load %arg9[%swap3A_551, %swap3A_552] {strides = array<i32>} : memref<4x128xi32, #tpu.memory_space<vmem>>, vector<1x16xi32>,
    %swap3A_554 = vector.shape_cast %swap3A_553 : vector<1x16xi32> to vector<16xi32>
    %swap3A_555 = vector.shape_cast %add3A_549 : vector<16xi32> to vector<1x16xi32>
    tpu.vector_store %arg9[%swap3A_551, %swap3A_552], %swap3A_555 {strides = array<i32>} : memref<4x128xi32, #tpu.memory_space<vmem>>, vector<1x16xi32>,
    %get3A_556 = arith.constant 3 : i32
    %get3A_557 = arith.index_cast %get3A_556 : i32 to index
    %get3A_558 = arith.constant 0 : index
    %get3A_559 = tpu.vector_load %arg9[%get3A_557, %get3A_558] {strides = array<i32>} : memref<4x128xi32, #tpu.memory_space<vmem>>, vector<1x16xi32>,
    %get3A_560 = vector.shape_cast %get3A_559 : vector<1x16xi32> to vector<16xi32>
    %add3A_561 = arith.constant 384 : i32
    %add3A_562 = arith.addi %mul3A_2, %add3A_561 : i32
    %add3A_563 = arith.constant 0 : i32
    %add3A_564 = arith.addi %add3A_562, %add3A_563 : i32
    %add3A_565 = vector.broadcast %add3A_564 : i32 to vector<16xi32>
    %add3A_566 = arith.addi %add3A_565, %iota3A : vector<16xi32>
    %mul3A_567 = arith.constant 128 : i32
    %mul3A_568 = vector.broadcast %mul3A_567 : i32 to vector<16xi32>
    %mul3A_569 = arith.muli %add3A_566, %mul3A_568 : vector<16xi32>
    %add3A_570 = arith.addi %mul3A_569, %get3A_560 : vector<16xi32>
    %swap3A_571 = arith.constant 3 : i32
    %swap3A_572 = arith.index_cast %swap3A_571 : i32 to index
    %swap3A_573 = arith.constant 0 : index
    %swap3A_574 = tpu.vector_load %arg9[%swap3A_572, %swap3A_573] {strides = array<i32>} : memref<4x128xi32, #tpu.memory_space<vmem>>, vector<1x16xi32>,
    %swap3A_575 = vector.shape_cast %swap3A_574 : vector<1x16xi32> to vector<16xi32>
    %swap3A_576 = vector.shape_cast %add3A_570 : vector<16xi32> to vector<1x16xi32>
    tpu.vector_store %arg9[%swap3A_572, %swap3A_573], %swap3A_576 {strides = array<i32>} : memref<4x128xi32, #tpu.memory_space<vmem>>, vector<1x16xi32>,
    %get3A_577 = arith.constant 3 : i32
    %get3A_578 = arith.index_cast %get3A_577 : i32 to index
    %get3A_579 = arith.constant 16 : index
    %get3A_580 = tpu.vector_load %arg9[%get3A_578, %get3A_579] {strides = array<i32>} : memref<4x128xi32, #tpu.memory_space<vmem>>, vector<1x16xi32>,
    %get3A_581 = vector.shape_cast %get3A_580 : vector<1x16xi32> to vector<16xi32>
    %add3A_582 = arith.constant 384 : i32
    %add3A_583 = arith.addi %mul3A_2, %add3A_582 : i32
    %add3A_584 = arith.constant 16 : i32
    %add3A_585 = arith.addi %add3A_583, %add3A_584 : i32
    %add3A_586 = vector.broadcast %add3A_585 : i32 to vector<16xi32>
    %add3A_587 = arith.addi %add3A_586, %iota3A : vector<16xi32>
    %mul3A_588 = arith.constant 128 : i32
    %mul3A_589 = vector.broadcast %mul3A_588 : i32 to vector<16xi32>
    %mul3A_590 = arith.muli %add3A_587, %mul3A_589 : vector<16xi32>
    %add3A_591 = arith.addi %mul3A_590, %get3A_581 : vector<16xi32>
    %swap3A_592 = arith.constant 3 : i32
    %swap3A_593 = arith.index_cast %swap3A_592 : i32 to index
    %swap3A_594 = arith.constant 16 : index
    %swap3A_595 = tpu.vector_load %arg9[%swap3A_593, %swap3A_594] {strides = array<i32>} : memref<4x128xi32, #tpu.memory_space<vmem>>, vector<1x16xi32>,
    %swap3A_596 = vector.shape_cast %swap3A_595 : vector<1x16xi32> to vector<16xi32>
    %swap3A_597 = vector.shape_cast %add3A_591 : vector<16xi32> to vector<1x16xi32>
    tpu.vector_store %arg9[%swap3A_593, %swap3A_594], %swap3A_597 {strides = array<i32>} : memref<4x128xi32, #tpu.memory_space<vmem>>, vector<1x16xi32>,
    %get3A_598 = arith.constant 3 : i32
    %get3A_599 = arith.index_cast %get3A_598 : i32 to index
    %get3A_600 = arith.constant 32 : index
    %get3A_601 = tpu.vector_load %arg9[%get3A_599, %get3A_600] {strides = array<i32>} : memref<4x128xi32, #tpu.memory_space<vmem>>, vector<1x16xi32>,
    %get3A_602 = vector.shape_cast %get3A_601 : vector<1x16xi32> to vector<16xi32>
    %add3A_603 = arith.constant 384 : i32
    %add3A_604 = arith.addi %mul3A_2, %add3A_603 : i32
    %add3A_605 = arith.constant 32 : i32
    %add3A_606 = arith.addi %add3A_604, %add3A_605 : i32
    %add3A_607 = vector.broadcast %add3A_606 : i32 to vector<16xi32>
    %add3A_608 = arith.addi %add3A_607, %iota3A : vector<16xi32>
    %mul3A_609 = arith.constant 128 : i32
    %mul3A_610 = vector.broadcast %mul3A_609 : i32 to vector<16xi32>
    %mul3A_611 = arith.muli %add3A_608, %mul3A_610 : vector<16xi32>
    %add3A_612 = arith.addi %mul3A_611, %get3A_602 : vector<16xi32>
    %swap3A_613 = arith.constant 3 : i32
    %swap3A_614 = arith.index_cast %swap3A_613 : i32 to index
    %swap3A_615 = arith.constant 32 : index
    %swap3A_616 = tpu.vector_load %arg9[%swap3A_614, %swap3A_615] {strides = array<i32>} : memref<4x128xi32, #tpu.memory_space<vmem>>, vector<1x16xi32>,
    %swap3A_617 = vector.shape_cast %swap3A_616 : vector<1x16xi32> to vector<16xi32>
    %swap3A_618 = vector.shape_cast %add3A_612 : vector<16xi32> to vector<1x16xi32>
    tpu.vector_store %arg9[%swap3A_614, %swap3A_615], %swap3A_618 {strides = array<i32>} : memref<4x128xi32, #tpu.memory_space<vmem>>, vector<1x16xi32>,
    %get3A_619 = arith.constant 3 : i32
    %get3A_620 = arith.index_cast %get3A_619 : i32 to index
    %get3A_621 = arith.constant 48 : index
    %get3A_622 = tpu.vector_load %arg9[%get3A_620, %get3A_621] {strides = array<i32>} : memref<4x128xi32, #tpu.memory_space<vmem>>, vector<1x16xi32>,
    %get3A_623 = vector.shape_cast %get3A_622 : vector<1x16xi32> to vector<16xi32>
    %add3A_624 = arith.constant 384 : i32
    %add3A_625 = arith.addi %mul3A_2, %add3A_624 : i32
    %add3A_626 = arith.constant 48 : i32
    %add3A_627 = arith.addi %add3A_625, %add3A_626 : i32
    %add3A_628 = vector.broadcast %add3A_627 : i32 to vector<16xi32>
    %add3A_629 = arith.addi %add3A_628, %iota3A : vector<16xi32>
    %mul3A_630 = arith.constant 128 : i32
    %mul3A_631 = vector.broadcast %mul3A_630 : i32 to vector<16xi32>
    %mul3A_632 = arith.muli %add3A_629, %mul3A_631 : vector<16xi32>
    %add3A_633 = arith.addi %mul3A_632, %get3A_623 : vector<16xi32>
    %swap3A_634 = arith.constant 3 : i32
    %swap3A_635 = arith.index_cast %swap3A_634 : i32 to index
    %swap3A_636 = arith.constant 48 : index
    %swap3A_637 = tpu.vector_load %arg9[%swap3A_635, %swap3A_636] {strides = array<i32>} : memref<4x128xi32, #tpu.memory_space<vmem>>, vector<1x16xi32>,
    %swap3A_638 = vector.shape_cast %swap3A_637 : vector<1x16xi32> to vector<16xi32>
    %swap3A_639 = vector.shape_cast %add3A_633 : vector<16xi32> to vector<1x16xi32>
    tpu.vector_store %arg9[%swap3A_635, %swap3A_636], %swap3A_639 {strides = array<i32>} : memref<4x128xi32, #tpu.memory_space<vmem>>, vector<1x16xi32>,
    %get3A_640 = arith.constant 3 : i32
    %get3A_641 = arith.index_cast %get3A_640 : i32 to index
    %get3A_642 = arith.constant 64 : index
    %get3A_643 = tpu.vector_load %arg9[%get3A_641, %get3A_642] {strides = array<i32>} : memref<4x128xi32, #tpu.memory_space<vmem>>, vector<1x16xi32>,
    %get3A_644 = vector.shape_cast %get3A_643 : vector<1x16xi32> to vector<16xi32>
    %add3A_645 = arith.constant 384 : i32
    %add3A_646 = arith.addi %mul3A_2, %add3A_645 : i32
    %add3A_647 = arith.constant 64 : i32
    %add3A_648 = arith.addi %add3A_646, %add3A_647 : i32
    %add3A_649 = vector.broadcast %add3A_648 : i32 to vector<16xi32>
    %add3A_650 = arith.addi %add3A_649, %iota3A : vector<16xi32>
    %mul3A_651 = arith.constant 128 : i32
    %mul3A_652 = vector.broadcast %mul3A_651 : i32 to vector<16xi32>
    %mul3A_653 = arith.muli %add3A_650, %mul3A_652 : vector<16xi32>
    %add3A_654 = arith.addi %mul3A_653, %get3A_644 : vector<16xi32>
    %swap3A_655 = arith.constant 3 : i32
    %swap3A_656 = arith.index_cast %swap3A_655 : i32 to index
    %swap3A_657 = arith.constant 64 : index
    %swap3A_658 = tpu.vector_load %arg9[%swap3A_656, %swap3A_657] {strides = array<i32>} : memref<4x128xi32, #tpu.memory_space<vmem>>, vector<1x16xi32>,
    %swap3A_659 = vector.shape_cast %swap3A_658 : vector<1x16xi32> to vector<16xi32>
    %swap3A_660 = vector.shape_cast %add3A_654 : vector<16xi32> to vector<1x16xi32>
    tpu.vector_store %arg9[%swap3A_656, %swap3A_657], %swap3A_660 {strides = array<i32>} : memref<4x128xi32, #tpu.memory_space<vmem>>, vector<1x16xi32>,
    %get3A_661 = arith.constant 3 : i32
    %get3A_662 = arith.index_cast %get3A_661 : i32 to index
    %get3A_663 = arith.constant 80 : index
    %get3A_664 = tpu.vector_load %arg9[%get3A_662, %get3A_663] {strides = array<i32>} : memref<4x128xi32, #tpu.memory_space<vmem>>, vector<1x16xi32>,
    %get3A_665 = vector.shape_cast %get3A_664 : vector<1x16xi32> to vector<16xi32>
    %add3A_666 = arith.constant 384 : i32
    %add3A_667 = arith.addi %mul3A_2, %add3A_666 : i32
    %add3A_668 = arith.constant 80 : i32
    %add3A_669 = arith.addi %add3A_667, %add3A_668 : i32
    %add3A_670 = vector.broadcast %add3A_669 : i32 to vector<16xi32>
    %add3A_671 = arith.addi %add3A_670, %iota3A : vector<16xi32>
    %mul3A_672 = arith.constant 128 : i32
    %mul3A_673 = vector.broadcast %mul3A_672 : i32 to vector<16xi32>
    %mul3A_674 = arith.muli %add3A_671, %mul3A_673 : vector<16xi32>
    %add3A_675 = arith.addi %mul3A_674, %get3A_665 : vector<16xi32>
    %swap3A_676 = arith.constant 3 : i32
    %swap3A_677 = arith.index_cast %swap3A_676 : i32 to index
    %swap3A_678 = arith.constant 80 : index
    %swap3A_679 = tpu.vector_load %arg9[%swap3A_677, %swap3A_678] {strides = array<i32>} : memref<4x128xi32, #tpu.memory_space<vmem>>, vector<1x16xi32>,
    %swap3A_680 = vector.shape_cast %swap3A_679 : vector<1x16xi32> to vector<16xi32>
    %swap3A_681 = vector.shape_cast %add3A_675 : vector<16xi32> to vector<1x16xi32>
    tpu.vector_store %arg9[%swap3A_677, %swap3A_678], %swap3A_681 {strides = array<i32>} : memref<4x128xi32, #tpu.memory_space<vmem>>, vector<1x16xi32>,
    %get3A_682 = arith.constant 3 : i32
    %get3A_683 = arith.index_cast %get3A_682 : i32 to index
    %get3A_684 = arith.constant 96 : index
    %get3A_685 = tpu.vector_load %arg9[%get3A_683, %get3A_684] {strides = array<i32>} : memref<4x128xi32, #tpu.memory_space<vmem>>, vector<1x16xi32>,
    %get3A_686 = vector.shape_cast %get3A_685 : vector<1x16xi32> to vector<16xi32>
    %add3A_687 = arith.constant 384 : i32
    %add3A_688 = arith.addi %mul3A_2, %add3A_687 : i32
    %add3A_689 = arith.constant 96 : i32
    %add3A_690 = arith.addi %add3A_688, %add3A_689 : i32
    %add3A_691 = vector.broadcast %add3A_690 : i32 to vector<16xi32>
    %add3A_692 = arith.addi %add3A_691, %iota3A : vector<16xi32>
    %mul3A_693 = arith.constant 128 : i32
    %mul3A_694 = vector.broadcast %mul3A_693 : i32 to vector<16xi32>
    %mul3A_695 = arith.muli %add3A_692, %mul3A_694 : vector<16xi32>
    %add3A_696 = arith.addi %mul3A_695, %get3A_686 : vector<16xi32>
    %swap3A_697 = arith.constant 3 : i32
    %swap3A_698 = arith.index_cast %swap3A_697 : i32 to index
    %swap3A_699 = arith.constant 96 : index
    %swap3A_700 = tpu.vector_load %arg9[%swap3A_698, %swap3A_699] {strides = array<i32>} : memref<4x128xi32, #tpu.memory_space<vmem>>, vector<1x16xi32>,
    %swap3A_701 = vector.shape_cast %swap3A_700 : vector<1x16xi32> to vector<16xi32>
    %swap3A_702 = vector.shape_cast %add3A_696 : vector<16xi32> to vector<1x16xi32>
    tpu.vector_store %arg9[%swap3A_698, %swap3A_699], %swap3A_702 {strides = array<i32>} : memref<4x128xi32, #tpu.memory_space<vmem>>, vector<1x16xi32>,
    %get3A_703 = arith.constant 3 : i32
    %get3A_704 = arith.index_cast %get3A_703 : i32 to index
    %get3A_705 = arith.constant 112 : index
    %get3A_706 = tpu.vector_load %arg9[%get3A_704, %get3A_705] {strides = array<i32>} : memref<4x128xi32, #tpu.memory_space<vmem>>, vector<1x16xi32>,
    %get3A_707 = vector.shape_cast %get3A_706 : vector<1x16xi32> to vector<16xi32>
    %add3A_708 = arith.constant 384 : i32
    %add3A_709 = arith.addi %mul3A_2, %add3A_708 : i32
    %add3A_710 = arith.constant 112 : i32
    %add3A_711 = arith.addi %add3A_709, %add3A_710 : i32
    %add3A_712 = vector.broadcast %add3A_711 : i32 to vector<16xi32>
    %add3A_713 = arith.addi %add3A_712, %iota3A : vector<16xi32>
    %mul3A_714 = arith.constant 128 : i32
    %mul3A_715 = vector.broadcast %mul3A_714 : i32 to vector<16xi32>
    %mul3A_716 = arith.muli %add3A_713, %mul3A_715 : vector<16xi32>
    %add3A_717 = arith.addi %mul3A_716, %get3A_707 : vector<16xi32>
    %swap3A_718 = arith.constant 3 : i32
    %swap3A_719 = arith.index_cast %swap3A_718 : i32 to index
    %swap3A_720 = arith.constant 112 : index
    %swap3A_721 = tpu.vector_load %arg9[%swap3A_719, %swap3A_720] {strides = array<i32>} : memref<4x128xi32, #tpu.memory_space<vmem>>, vector<1x16xi32>,
    %swap3A_722 = vector.shape_cast %swap3A_721 : vector<1x16xi32> to vector<16xi32>
    %swap3A_723 = vector.shape_cast %add3A_717 : vector<16xi32> to vector<1x16xi32>
    tpu.vector_store %arg9[%swap3A_719, %swap3A_720], %swap3A_723 {strides = array<i32>} : memref<4x128xi32, #tpu.memory_space<vmem>>, vector<1x16xi32>,
    %dma_start3A_724 = arith.constant 0 : i32
    %dma_start3A_725 = arith.constant 0 : i32
    %dma_start3A_726 = arith.constant 0 : i32
    %dma_start3A_727 = tpu.memref_slice %arg11[%dma_start3A_725, %dma_start3A_726] : memref<4x128xf32, #tpu.memory_space<vmem>> -> memref<1x128xf32, #tpu.memory_space<vmem>>
    %dma_start3A_728 = tpu.memref_squeeze %dma_start3A_727 : memref<1x128xf32, #tpu.memory_space<vmem>> -> memref<128xf32, #tpu.memory_space<vmem>>
    %dma_start3A_729 = arith.constant 0 : i32
    %dma_start3A_730 = tpu.memref_slice %arg9[%dma_start3A_724, %dma_start3A_729] : memref<4x128xi32, #tpu.memory_space<vmem>> -> memref<1x128xi32, #tpu.memory_space<vmem>>
    %dma_start3A_731 = tpu.memref_squeeze %dma_start3A_730 : memref<1x128xi32, #tpu.memory_space<vmem>> -> memref<128xi32, #tpu.memory_space<vmem>>
    %dma_start3A_732 = arith.constant 0 : i32
    %dma_start3A_733 = tpu.memref_slice %arg4[%dma_start3A_732] : memref<2097152xf32, #tpu.memory_space<hbm>> -> memref<2097152xf32, #tpu.memory_space<hbm>>
    tpu.enqueue_indirect_dma source(%dma_start3A_733 : memref<2097152xf32, #tpu.memory_space<hbm>>) target(%dma_start3A_728 : memref<128xf32, #tpu.memory_space<vmem>>) offsets(%dma_start3A_731 : memref<128xi32, #tpu.memory_space<vmem>>) semaphore(%arg13 : memref<!tpu.dma_semaphore, #tpu.memory_space<semaphore_mem>>)
    %dma_start3A_734 = arith.constant 1 : i32
    %dma_start3A_735 = arith.constant 1 : i32
    %dma_start3A_736 = arith.constant 0 : i32
    %dma_start3A_737 = tpu.memref_slice %arg11[%dma_start3A_735, %dma_start3A_736] : memref<4x128xf32, #tpu.memory_space<vmem>> -> memref<1x128xf32, #tpu.memory_space<vmem>>
    %dma_start3A_738 = tpu.memref_squeeze %dma_start3A_737 : memref<1x128xf32, #tpu.memory_space<vmem>> -> memref<128xf32, #tpu.memory_space<vmem>>
    %dma_start3A_739 = arith.constant 0 : i32
    %dma_start3A_740 = tpu.memref_slice %arg9[%dma_start3A_734, %dma_start3A_739] : memref<4x128xi32, #tpu.memory_space<vmem>> -> memref<1x128xi32, #tpu.memory_space<vmem>>
    %dma_start3A_741 = tpu.memref_squeeze %dma_start3A_740 : memref<1x128xi32, #tpu.memory_space<vmem>> -> memref<128xi32, #tpu.memory_space<vmem>>
    %dma_start3A_742 = arith.constant 0 : i32
    %dma_start3A_743 = tpu.memref_slice %arg4[%dma_start3A_742] : memref<2097152xf32, #tpu.memory_space<hbm>> -> memref<2097152xf32, #tpu.memory_space<hbm>>
    tpu.enqueue_indirect_dma source(%dma_start3A_743 : memref<2097152xf32, #tpu.memory_space<hbm>>) target(%dma_start3A_738 : memref<128xf32, #tpu.memory_space<vmem>>) offsets(%dma_start3A_741 : memref<128xi32, #tpu.memory_space<vmem>>) semaphore(%arg13 : memref<!tpu.dma_semaphore, #tpu.memory_space<semaphore_mem>>)
    %dma_start3A_744 = arith.constant 2 : i32
    %dma_start3A_745 = arith.constant 2 : i32
    %dma_start3A_746 = arith.constant 0 : i32
    %dma_start3A_747 = tpu.memref_slice %arg11[%dma_start3A_745, %dma_start3A_746] : memref<4x128xf32, #tpu.memory_space<vmem>> -> memref<1x128xf32, #tpu.memory_space<vmem>>
    %dma_start3A_748 = tpu.memref_squeeze %dma_start3A_747 : memref<1x128xf32, #tpu.memory_space<vmem>> -> memref<128xf32, #tpu.memory_space<vmem>>
    %dma_start3A_749 = arith.constant 0 : i32
    %dma_start3A_750 = tpu.memref_slice %arg9[%dma_start3A_744, %dma_start3A_749] : memref<4x128xi32, #tpu.memory_space<vmem>> -> memref<1x128xi32, #tpu.memory_space<vmem>>
    %dma_start3A_751 = tpu.memref_squeeze %dma_start3A_750 : memref<1x128xi32, #tpu.memory_space<vmem>> -> memref<128xi32, #tpu.memory_space<vmem>>
    %dma_start3A_752 = arith.constant 0 : i32
    %dma_start3A_753 = tpu.memref_slice %arg4[%dma_start3A_752] : memref<2097152xf32, #tpu.memory_space<hbm>> -> memref<2097152xf32, #tpu.memory_space<hbm>>
    tpu.enqueue_indirect_dma source(%dma_start3A_753 : memref<2097152xf32, #tpu.memory_space<hbm>>) target(%dma_start3A_748 : memref<128xf32, #tpu.memory_space<vmem>>) offsets(%dma_start3A_751 : memref<128xi32, #tpu.memory_space<vmem>>) semaphore(%arg13 : memref<!tpu.dma_semaphore, #tpu.memory_space<semaphore_mem>>)
    %dma_start3A_754 = arith.constant 3 : i32
    %dma_start3A_755 = arith.constant 3 : i32
    %dma_start3A_756 = arith.constant 0 : i32
    %dma_start3A_757 = tpu.memref_slice %arg11[%dma_start3A_755, %dma_start3A_756] : memref<4x128xf32, #tpu.memory_space<vmem>> -> memref<1x128xf32, #tpu.memory_space<vmem>>
    %dma_start3A_758 = tpu.memref_squeeze %dma_start3A_757 : memref<1x128xf32, #tpu.memory_space<vmem>> -> memref<128xf32, #tpu.memory_space<vmem>>
    %dma_start3A_759 = arith.constant 0 : i32
    %dma_start3A_760 = tpu.memref_slice %arg9[%dma_start3A_754, %dma_start3A_759] : memref<4x128xi32, #tpu.memory_space<vmem>> -> memref<1x128xi32, #tpu.memory_space<vmem>>
    %dma_start3A_761 = tpu.memref_squeeze %dma_start3A_760 : memref<1x128xi32, #tpu.memory_space<vmem>> -> memref<128xi32, #tpu.memory_space<vmem>>
    %dma_start3A_762 = arith.constant 0 : i32
    %dma_start3A_763 = tpu.memref_slice %arg4[%dma_start3A_762] : memref<2097152xf32, #tpu.memory_space<hbm>> -> memref<2097152xf32, #tpu.memory_space<hbm>>
    tpu.enqueue_indirect_dma source(%dma_start3A_763 : memref<2097152xf32, #tpu.memory_space<hbm>>) target(%dma_start3A_758 : memref<128xf32, #tpu.memory_space<vmem>>) offsets(%dma_start3A_761 : memref<128xi32, #tpu.memory_space<vmem>>) semaphore(%arg13 : memref<!tpu.dma_semaphore, #tpu.memory_space<semaphore_mem>>)
    %dma_wait3A = arith.constant 0 : i32
    %dma_wait3A_764 = arith.constant 0 : i32
    %dma_wait3A_765 = arith.constant 0 : i32
    %dma_wait3A_766 = arith.constant 0 : i32
    %dma_wait3A_767 = tpu.memref_slice %arg10[%dma_wait3A_764, %dma_wait3A_765, %dma_wait3A_766] : memref<4x128x128xf32, #tpu.memory_space<vmem>> -> memref<1x128x128xf32, #tpu.memory_space<vmem>>
    %dma_wait3A_768 = tpu.memref_squeeze %dma_wait3A_767 : memref<1x128x128xf32, #tpu.memory_space<vmem>> -> memref<128x128xf32, #tpu.memory_space<vmem>>
    %dma_wait3A_769 = arith.constant 0 : i32
    %dma_wait3A_770 = tpu.memref_slice %arg8[%dma_wait3A, %dma_wait3A_769] : memref<4x128xi32, #tpu.memory_space<vmem>> -> memref<1x128xi32, #tpu.memory_space<vmem>>
    %dma_wait3A_771 = tpu.memref_squeeze %dma_wait3A_770 : memref<1x128xi32, #tpu.memory_space<vmem>> -> memref<128xi32, #tpu.memory_space<vmem>>
    %dma_wait3A_772 = arith.constant 0 : i32
    %dma_wait3A_773 = arith.constant 0 : i32
    %dma_wait3A_774 = tpu.memref_slice %arg5[%dma_wait3A_772, %dma_wait3A_773] : memref<1000000x128xf32, #tpu.memory_space<hbm>> -> memref<1000000x128xf32, #tpu.memory_space<hbm>>
    tpu.wait_indirect_dma semaphore(%arg12 : memref<!tpu.dma_semaphore, #tpu.memory_space<semaphore_mem>>) src(%dma_wait3A_774 : memref<1000000x128xf32, #tpu.memory_space<hbm>>) dst(%dma_wait3A_768 : memref<128x128xf32, #tpu.memory_space<vmem>>)
    %add3A_775 = arith.constant 0 : i32
    %add3A_776 = arith.addi %mul3A_2, %add3A_775 : i32
    %dma_start3A_777 = arith.constant 0 : i32
    %dma_start3A_778 = arith.constant 0 : i32
    %dma_start3A_779 = arith.constant 0 : i32
    %dma_start3A_780 = tpu.memref_slice %arg10[%dma_start3A_777, %dma_start3A_778, %dma_start3A_779] : memref<4x128x128xf32, #tpu.memory_space<vmem>> -> memref<1x128x128xf32, #tpu.memory_space<vmem>>
    %dma_start3A_781 = tpu.memref_squeeze %dma_start3A_780 : memref<1x128x128xf32, #tpu.memory_space<vmem>> -> memref<128x128xf32, #tpu.memory_space<vmem>>
    %dma_start3A_782 = arith.constant 0 : i32
    %dma_start3A_783 = tpu.memref_slice %arg6[%add3A_776, %dma_start3A_782] : memref<16384x128xf32, #tpu.memory_space<hbm>> -> memref<128x128xf32, #tpu.memory_space<hbm>>
    %dma_start3A_784 = arith.constant 0 : i32
    %dma_start3A_785 = tpu.memref_slice %arg6[%add3A_776, %dma_start3A_784] : memref<16384x128xf32, #tpu.memory_space<hbm>> -> memref<128x128xf32, #tpu.memory_space<hbm>>
    %dma_start3A_786 = arith.constant 0 : i32
    %dma_start3A_787 = arith.constant 0 : i32
    %dma_start3A_788 = tpu.memref_slice %arg10[%dma_start3A_777, %dma_start3A_786, %dma_start3A_787] : memref<4x128x128xf32, #tpu.memory_space<vmem>> -> memref<1x128x128xf32, #tpu.memory_space<vmem>>
    %dma_start3A_789 = tpu.memref_squeeze %dma_start3A_788 : memref<1x128x128xf32, #tpu.memory_space<vmem>> -> memref<128x128xf32, #tpu.memory_space<vmem>>
    tpu.enqueue_dma source(%dma_start3A_789 : memref<128x128xf32, #tpu.memory_space<vmem>>) target(%dma_start3A_785 : memref<128x128xf32, #tpu.memory_space<hbm>>) target_semaphore(%arg14 : memref<!tpu.dma_semaphore, #tpu.memory_space<semaphore_mem>>)
    %dma_wait3A_790 = arith.constant 1 : i32
    %dma_wait3A_791 = arith.constant 1 : i32
    %dma_wait3A_792 = arith.constant 0 : i32
    %dma_wait3A_793 = arith.constant 0 : i32
    %dma_wait3A_794 = tpu.memref_slice %arg10[%dma_wait3A_791, %dma_wait3A_792, %dma_wait3A_793] : memref<4x128x128xf32, #tpu.memory_space<vmem>> -> memref<1x128x128xf32, #tpu.memory_space<vmem>>
    %dma_wait3A_795 = tpu.memref_squeeze %dma_wait3A_794 : memref<1x128x128xf32, #tpu.memory_space<vmem>> -> memref<128x128xf32, #tpu.memory_space<vmem>>
    %dma_wait3A_796 = arith.constant 0 : i32
    %dma_wait3A_797 = tpu.memref_slice %arg8[%dma_wait3A_790, %dma_wait3A_796] : memref<4x128xi32, #tpu.memory_space<vmem>> -> memref<1x128xi32, #tpu.memory_space<vmem>>
    %dma_wait3A_798 = tpu.memref_squeeze %dma_wait3A_797 : memref<1x128xi32, #tpu.memory_space<vmem>> -> memref<128xi32, #tpu.memory_space<vmem>>
    %dma_wait3A_799 = arith.constant 0 : i32
    %dma_wait3A_800 = arith.constant 0 : i32
    %dma_wait3A_801 = tpu.memref_slice %arg5[%dma_wait3A_799, %dma_wait3A_800] : memref<1000000x128xf32, #tpu.memory_space<hbm>> -> memref<1000000x128xf32, #tpu.memory_space<hbm>>
    tpu.wait_indirect_dma semaphore(%arg12 : memref<!tpu.dma_semaphore, #tpu.memory_space<semaphore_mem>>) src(%dma_wait3A_801 : memref<1000000x128xf32, #tpu.memory_space<hbm>>) dst(%dma_wait3A_795 : memref<128x128xf32, #tpu.memory_space<vmem>>)
    %add3A_802 = arith.constant 128 : i32
    %add3A_803 = arith.addi %mul3A_2, %add3A_802 : i32
    %dma_start3A_804 = arith.constant 1 : i32
    %dma_start3A_805 = arith.constant 0 : i32
    %dma_start3A_806 = arith.constant 0 : i32
    %dma_start3A_807 = tpu.memref_slice %arg10[%dma_start3A_804, %dma_start3A_805, %dma_start3A_806] : memref<4x128x128xf32, #tpu.memory_space<vmem>> -> memref<1x128x128xf32, #tpu.memory_space<vmem>>
    %dma_start3A_808 = tpu.memref_squeeze %dma_start3A_807 : memref<1x128x128xf32, #tpu.memory_space<vmem>> -> memref<128x128xf32, #tpu.memory_space<vmem>>
    %dma_start3A_809 = arith.constant 0 : i32
    %dma_start3A_810 = tpu.memref_slice %arg6[%add3A_803, %dma_start3A_809] : memref<16384x128xf32, #tpu.memory_space<hbm>> -> memref<128x128xf32, #tpu.memory_space<hbm>>
    %dma_start3A_811 = arith.constant 0 : i32
    %dma_start3A_812 = tpu.memref_slice %arg6[%add3A_803, %dma_start3A_811] : memref<16384x128xf32, #tpu.memory_space<hbm>> -> memref<128x128xf32, #tpu.memory_space<hbm>>
    %dma_start3A_813 = arith.constant 0 : i32
    %dma_start3A_814 = arith.constant 0 : i32
    %dma_start3A_815 = tpu.memref_slice %arg10[%dma_start3A_804, %dma_start3A_813, %dma_start3A_814] : memref<4x128x128xf32, #tpu.memory_space<vmem>> -> memref<1x128x128xf32, #tpu.memory_space<vmem>>
    %dma_start3A_816 = tpu.memref_squeeze %dma_start3A_815 : memref<1x128x128xf32, #tpu.memory_space<vmem>> -> memref<128x128xf32, #tpu.memory_space<vmem>>
    tpu.enqueue_dma source(%dma_start3A_816 : memref<128x128xf32, #tpu.memory_space<vmem>>) target(%dma_start3A_812 : memref<128x128xf32, #tpu.memory_space<hbm>>) target_semaphore(%arg14 : memref<!tpu.dma_semaphore, #tpu.memory_space<semaphore_mem>>)
    %dma_wait3A_817 = arith.constant 2 : i32
    %dma_wait3A_818 = arith.constant 2 : i32
    %dma_wait3A_819 = arith.constant 0 : i32
    %dma_wait3A_820 = arith.constant 0 : i32
    %dma_wait3A_821 = tpu.memref_slice %arg10[%dma_wait3A_818, %dma_wait3A_819, %dma_wait3A_820] : memref<4x128x128xf32, #tpu.memory_space<vmem>> -> memref<1x128x128xf32, #tpu.memory_space<vmem>>
    %dma_wait3A_822 = tpu.memref_squeeze %dma_wait3A_821 : memref<1x128x128xf32, #tpu.memory_space<vmem>> -> memref<128x128xf32, #tpu.memory_space<vmem>>
    %dma_wait3A_823 = arith.constant 0 : i32
    %dma_wait3A_824 = tpu.memref_slice %arg8[%dma_wait3A_817, %dma_wait3A_823] : memref<4x128xi32, #tpu.memory_space<vmem>> -> memref<1x128xi32, #tpu.memory_space<vmem>>
    %dma_wait3A_825 = tpu.memref_squeeze %dma_wait3A_824 : memref<1x128xi32, #tpu.memory_space<vmem>> -> memref<128xi32, #tpu.memory_space<vmem>>
    %dma_wait3A_826 = arith.constant 0 : i32
    %dma_wait3A_827 = arith.constant 0 : i32
    %dma_wait3A_828 = tpu.memref_slice %arg5[%dma_wait3A_826, %dma_wait3A_827] : memref<1000000x128xf32, #tpu.memory_space<hbm>> -> memref<1000000x128xf32, #tpu.memory_space<hbm>>
    tpu.wait_indirect_dma semaphore(%arg12 : memref<!tpu.dma_semaphore, #tpu.memory_space<semaphore_mem>>) src(%dma_wait3A_828 : memref<1000000x128xf32, #tpu.memory_space<hbm>>) dst(%dma_wait3A_822 : memref<128x128xf32, #tpu.memory_space<vmem>>)
    %add3A_829 = arith.constant 256 : i32
    %add3A_830 = arith.addi %mul3A_2, %add3A_829 : i32
    %dma_start3A_831 = arith.constant 2 : i32
    %dma_start3A_832 = arith.constant 0 : i32
    %dma_start3A_833 = arith.constant 0 : i32
    %dma_start3A_834 = tpu.memref_slice %arg10[%dma_start3A_831, %dma_start3A_832, %dma_start3A_833] : memref<4x128x128xf32, #tpu.memory_space<vmem>> -> memref<1x128x128xf32, #tpu.memory_space<vmem>>
    %dma_start3A_835 = tpu.memref_squeeze %dma_start3A_834 : memref<1x128x128xf32, #tpu.memory_space<vmem>> -> memref<128x128xf32, #tpu.memory_space<vmem>>
    %dma_start3A_836 = arith.constant 0 : i32
    %dma_start3A_837 = tpu.memref_slice %arg6[%add3A_830, %dma_start3A_836] : memref<16384x128xf32, #tpu.memory_space<hbm>> -> memref<128x128xf32, #tpu.memory_space<hbm>>
    %dma_start3A_838 = arith.constant 0 : i32
    %dma_start3A_839 = tpu.memref_slice %arg6[%add3A_830, %dma_start3A_838] : memref<16384x128xf32, #tpu.memory_space<hbm>> -> memref<128x128xf32, #tpu.memory_space<hbm>>
    %dma_start3A_840 = arith.constant 0 : i32
    %dma_start3A_841 = arith.constant 0 : i32
    %dma_start3A_842 = tpu.memref_slice %arg10[%dma_start3A_831, %dma_start3A_840, %dma_start3A_841] : memref<4x128x128xf32, #tpu.memory_space<vmem>> -> memref<1x128x128xf32, #tpu.memory_space<vmem>>
    %dma_start3A_843 = tpu.memref_squeeze %dma_start3A_842 : memref<1x128x128xf32, #tpu.memory_space<vmem>> -> memref<128x128xf32, #tpu.memory_space<vmem>>
    tpu.enqueue_dma source(%dma_start3A_843 : memref<128x128xf32, #tpu.memory_space<vmem>>) target(%dma_start3A_839 : memref<128x128xf32, #tpu.memory_space<hbm>>) target_semaphore(%arg14 : memref<!tpu.dma_semaphore, #tpu.memory_space<semaphore_mem>>)
    %dma_wait3A_844 = arith.constant 3 : i32
    %dma_wait3A_845 = arith.constant 3 : i32
    %dma_wait3A_846 = arith.constant 0 : i32
    %dma_wait3A_847 = arith.constant 0 : i32
    %dma_wait3A_848 = tpu.memref_slice %arg10[%dma_wait3A_845, %dma_wait3A_846, %dma_wait3A_847] : memref<4x128x128xf32, #tpu.memory_space<vmem>> -> memref<1x128x128xf32, #tpu.memory_space<vmem>>
    %dma_wait3A_849 = tpu.memref_squeeze %dma_wait3A_848 : memref<1x128x128xf32, #tpu.memory_space<vmem>> -> memref<128x128xf32, #tpu.memory_space<vmem>>
    %dma_wait3A_850 = arith.constant 0 : i32
    %dma_wait3A_851 = tpu.memref_slice %arg8[%dma_wait3A_844, %dma_wait3A_850] : memref<4x128xi32, #tpu.memory_space<vmem>> -> memref<1x128xi32, #tpu.memory_space<vmem>>
    %dma_wait3A_852 = tpu.memref_squeeze %dma_wait3A_851 : memref<1x128xi32, #tpu.memory_space<vmem>> -> memref<128xi32, #tpu.memory_space<vmem>>
    %dma_wait3A_853 = arith.constant 0 : i32
    %dma_wait3A_854 = arith.constant 0 : i32
    %dma_wait3A_855 = tpu.memref_slice %arg5[%dma_wait3A_853, %dma_wait3A_854] : memref<1000000x128xf32, #tpu.memory_space<hbm>> -> memref<1000000x128xf32, #tpu.memory_space<hbm>>
    tpu.wait_indirect_dma semaphore(%arg12 : memref<!tpu.dma_semaphore, #tpu.memory_space<semaphore_mem>>) src(%dma_wait3A_855 : memref<1000000x128xf32, #tpu.memory_space<hbm>>) dst(%dma_wait3A_849 : memref<128x128xf32, #tpu.memory_space<vmem>>)
    %add3A_856 = arith.constant 384 : i32
    %add3A_857 = arith.addi %mul3A_2, %add3A_856 : i32
    %dma_start3A_858 = arith.constant 3 : i32
    %dma_start3A_859 = arith.constant 0 : i32
    %dma_start3A_860 = arith.constant 0 : i32
    %dma_start3A_861 = tpu.memref_slice %arg10[%dma_start3A_858, %dma_start3A_859, %dma_start3A_860] : memref<4x128x128xf32, #tpu.memory_space<vmem>> -> memref<1x128x128xf32, #tpu.memory_space<vmem>>
    %dma_start3A_862 = tpu.memref_squeeze %dma_start3A_861 : memref<1x128x128xf32, #tpu.memory_space<vmem>> -> memref<128x128xf32, #tpu.memory_space<vmem>>
    %dma_start3A_863 = arith.constant 0 : i32
    %dma_start3A_864 = tpu.memref_slice %arg6[%add3A_857, %dma_start3A_863] : memref<16384x128xf32, #tpu.memory_space<hbm>> -> memref<128x128xf32, #tpu.memory_space<hbm>>
    %dma_start3A_865 = arith.constant 0 : i32
    %dma_start3A_866 = tpu.memref_slice %arg6[%add3A_857, %dma_start3A_865] : memref<16384x128xf32, #tpu.memory_space<hbm>> -> memref<128x128xf32, #tpu.memory_space<hbm>>
    %dma_start3A_867 = arith.constant 0 : i32
    %dma_start3A_868 = arith.constant 0 : i32
    %dma_start3A_869 = tpu.memref_slice %arg10[%dma_start3A_858, %dma_start3A_867, %dma_start3A_868] : memref<4x128x128xf32, #tpu.memory_space<vmem>> -> memref<1x128x128xf32, #tpu.memory_space<vmem>>
    %dma_start3A_870 = tpu.memref_squeeze %dma_start3A_869 : memref<1x128x128xf32, #tpu.memory_space<vmem>> -> memref<128x128xf32, #tpu.memory_space<vmem>>
    tpu.enqueue_dma source(%dma_start3A_870 : memref<128x128xf32, #tpu.memory_space<vmem>>) target(%dma_start3A_866 : memref<128x128xf32, #tpu.memory_space<hbm>>) target_semaphore(%arg14 : memref<!tpu.dma_semaphore, #tpu.memory_space<semaphore_mem>>)
    %dma_wait3A_871 = arith.constant 0 : i32
    %dma_wait3A_872 = arith.constant 0 : i32
    %dma_wait3A_873 = arith.constant 0 : i32
    %dma_wait3A_874 = tpu.memref_slice %arg11[%dma_wait3A_872, %dma_wait3A_873] : memref<4x128xf32, #tpu.memory_space<vmem>> -> memref<1x128xf32, #tpu.memory_space<vmem>>
    %dma_wait3A_875 = tpu.memref_squeeze %dma_wait3A_874 : memref<1x128xf32, #tpu.memory_space<vmem>> -> memref<128xf32, #tpu.memory_space<vmem>>
    %dma_wait3A_876 = arith.constant 0 : i32
    %dma_wait3A_877 = tpu.memref_slice %arg9[%dma_wait3A_871, %dma_wait3A_876] : memref<4x128xi32, #tpu.memory_space<vmem>> -> memref<1x128xi32, #tpu.memory_space<vmem>>
    %dma_wait3A_878 = tpu.memref_squeeze %dma_wait3A_877 : memref<1x128xi32, #tpu.memory_space<vmem>> -> memref<128xi32, #tpu.memory_space<vmem>>
    %dma_wait3A_879 = arith.constant 0 : i32
    %dma_wait3A_880 = tpu.memref_slice %arg4[%dma_wait3A_879] : memref<2097152xf32, #tpu.memory_space<hbm>> -> memref<2097152xf32, #tpu.memory_space<hbm>>
    tpu.wait_indirect_dma semaphore(%arg13 : memref<!tpu.dma_semaphore, #tpu.memory_space<semaphore_mem>>) src(%dma_wait3A_880 : memref<2097152xf32, #tpu.memory_space<hbm>>) dst(%dma_wait3A_875 : memref<128xf32, #tpu.memory_space<vmem>>)
    %dma_wait3A_881 = arith.constant 1 : i32
    %dma_wait3A_882 = arith.constant 1 : i32
    %dma_wait3A_883 = arith.constant 0 : i32
    %dma_wait3A_884 = tpu.memref_slice %arg11[%dma_wait3A_882, %dma_wait3A_883] : memref<4x128xf32, #tpu.memory_space<vmem>> -> memref<1x128xf32, #tpu.memory_space<vmem>>
    %dma_wait3A_885 = tpu.memref_squeeze %dma_wait3A_884 : memref<1x128xf32, #tpu.memory_space<vmem>> -> memref<128xf32, #tpu.memory_space<vmem>>
    %dma_wait3A_886 = arith.constant 0 : i32
    %dma_wait3A_887 = tpu.memref_slice %arg9[%dma_wait3A_881, %dma_wait3A_886] : memref<4x128xi32, #tpu.memory_space<vmem>> -> memref<1x128xi32, #tpu.memory_space<vmem>>
    %dma_wait3A_888 = tpu.memref_squeeze %dma_wait3A_887 : memref<1x128xi32, #tpu.memory_space<vmem>> -> memref<128xi32, #tpu.memory_space<vmem>>
    %dma_wait3A_889 = arith.constant 0 : i32
    %dma_wait3A_890 = tpu.memref_slice %arg4[%dma_wait3A_889] : memref<2097152xf32, #tpu.memory_space<hbm>> -> memref<2097152xf32, #tpu.memory_space<hbm>>
    tpu.wait_indirect_dma semaphore(%arg13 : memref<!tpu.dma_semaphore, #tpu.memory_space<semaphore_mem>>) src(%dma_wait3A_890 : memref<2097152xf32, #tpu.memory_space<hbm>>) dst(%dma_wait3A_885 : memref<128xf32, #tpu.memory_space<vmem>>)
    %dma_wait3A_891 = arith.constant 2 : i32
    %dma_wait3A_892 = arith.constant 2 : i32
    %dma_wait3A_893 = arith.constant 0 : i32
    %dma_wait3A_894 = tpu.memref_slice %arg11[%dma_wait3A_892, %dma_wait3A_893] : memref<4x128xf32, #tpu.memory_space<vmem>> -> memref<1x128xf32, #tpu.memory_space<vmem>>
    %dma_wait3A_895 = tpu.memref_squeeze %dma_wait3A_894 : memref<1x128xf32, #tpu.memory_space<vmem>> -> memref<128xf32, #tpu.memory_space<vmem>>
    %dma_wait3A_896 = arith.constant 0 : i32
    %dma_wait3A_897 = tpu.memref_slice %arg9[%dma_wait3A_891, %dma_wait3A_896] : memref<4x128xi32, #tpu.memory_space<vmem>> -> memref<1x128xi32, #tpu.memory_space<vmem>>
    %dma_wait3A_898 = tpu.memref_squeeze %dma_wait3A_897 : memref<1x128xi32, #tpu.memory_space<vmem>> -> memref<128xi32, #tpu.memory_space<vmem>>
    %dma_wait3A_899 = arith.constant 0 : i32
    %dma_wait3A_900 = tpu.memref_slice %arg4[%dma_wait3A_899] : memref<2097152xf32, #tpu.memory_space<hbm>> -> memref<2097152xf32, #tpu.memory_space<hbm>>
    tpu.wait_indirect_dma semaphore(%arg13 : memref<!tpu.dma_semaphore, #tpu.memory_space<semaphore_mem>>) src(%dma_wait3A_900 : memref<2097152xf32, #tpu.memory_space<hbm>>) dst(%dma_wait3A_895 : memref<128xf32, #tpu.memory_space<vmem>>)
    %dma_wait3A_901 = arith.constant 3 : i32
    %dma_wait3A_902 = arith.constant 3 : i32
    %dma_wait3A_903 = arith.constant 0 : i32
    %dma_wait3A_904 = tpu.memref_slice %arg11[%dma_wait3A_902, %dma_wait3A_903] : memref<4x128xf32, #tpu.memory_space<vmem>> -> memref<1x128xf32, #tpu.memory_space<vmem>>
    %dma_wait3A_905 = tpu.memref_squeeze %dma_wait3A_904 : memref<1x128xf32, #tpu.memory_space<vmem>> -> memref<128xf32, #tpu.memory_space<vmem>>
    %dma_wait3A_906 = arith.constant 0 : i32
    %dma_wait3A_907 = tpu.memref_slice %arg9[%dma_wait3A_901, %dma_wait3A_906] : memref<4x128xi32, #tpu.memory_space<vmem>> -> memref<1x128xi32, #tpu.memory_space<vmem>>
    %dma_wait3A_908 = tpu.memref_squeeze %dma_wait3A_907 : memref<1x128xi32, #tpu.memory_space<vmem>> -> memref<128xi32, #tpu.memory_space<vmem>>
    %dma_wait3A_909 = arith.constant 0 : i32
    %dma_wait3A_910 = tpu.memref_slice %arg4[%dma_wait3A_909] : memref<2097152xf32, #tpu.memory_space<hbm>> -> memref<2097152xf32, #tpu.memory_space<hbm>>
    tpu.wait_indirect_dma semaphore(%arg13 : memref<!tpu.dma_semaphore, #tpu.memory_space<semaphore_mem>>) src(%dma_wait3A_910 : memref<2097152xf32, #tpu.memory_space<hbm>>) dst(%dma_wait3A_905 : memref<128xf32, #tpu.memory_space<vmem>>)
    %mul3A_911 = arith.constant 4 : i32
    %mul3A_912 = arith.muli %add3A, %mul3A_911 : i32
    "tpu.region"() ({
      %run_scoped3A = tpu.sem_alloc : memref<!tpu.dma_semaphore, #tpu.memory_space<semaphore_mem>>
      %dma_start3A_965 = arith.constant 0 : i32
      %dma_start3A_966 = tpu.memref_slice %arg7[%mul3A_912, %dma_start3A_965] : memref<128x128xf32, #tpu.memory_space<hbm>> -> memref<4x128xf32, #tpu.memory_space<hbm>>
      %dma_start3A_967 = arith.constant 0 : i32
      %dma_start3A_968 = tpu.memref_slice %arg7[%mul3A_912, %dma_start3A_967] : memref<128x128xf32, #tpu.memory_space<hbm>> -> memref<4x128xf32, #tpu.memory_space<hbm>>
      tpu.enqueue_dma source(%arg11 : memref<4x128xf32, #tpu.memory_space<vmem>>) target(%dma_start3A_968 : memref<4x128xf32, #tpu.memory_space<hbm>>) target_semaphore(%run_scoped3A : memref<!tpu.dma_semaphore, #tpu.memory_space<semaphore_mem>>)
      %dma_wait3A_969 = arith.constant 0 : i32
      %dma_wait3A_970 = tpu.memref_slice %arg7[%mul3A_912, %dma_wait3A_969] : memref<128x128xf32, #tpu.memory_space<hbm>> -> memref<4x128xf32, #tpu.memory_space<hbm>>
      %dma_wait3A_971 = arith.constant 0 : i32
      %dma_wait3A_972 = tpu.memref_slice %arg7[%mul3A_912, %dma_wait3A_971] : memref<128x128xf32, #tpu.memory_space<hbm>> -> memref<4x128xf32, #tpu.memory_space<hbm>>
      tpu.wait_dma2 semaphore(%run_scoped3A : memref<!tpu.dma_semaphore, #tpu.memory_space<semaphore_mem>>) src(%arg11 : memref<4x128xf32, #tpu.memory_space<vmem>>) dst(%dma_wait3A_972 : memref<4x128xf32, #tpu.memory_space<hbm>>)
      tpu.yield
    }) : () -> ()
    %dma_wait3A_913 = arith.constant 0 : i32
    %dma_wait3A_914 = arith.constant 0 : i32
    %dma_wait3A_915 = arith.constant 0 : i32
    %dma_wait3A_916 = tpu.memref_slice %arg10[%dma_wait3A_913, %dma_wait3A_914, %dma_wait3A_915] : memref<4x128x128xf32, #tpu.memory_space<vmem>> -> memref<1x128x128xf32, #tpu.memory_space<vmem>>
    %dma_wait3A_917 = tpu.memref_squeeze %dma_wait3A_916 : memref<1x128x128xf32, #tpu.memory_space<vmem>> -> memref<128x128xf32, #tpu.memory_space<vmem>>
    %dma_wait3A_918 = arith.constant 0 : i32
    %dma_wait3A_919 = tpu.memref_slice %arg6[%add3A_776, %dma_wait3A_918] : memref<16384x128xf32, #tpu.memory_space<hbm>> -> memref<128x128xf32, #tpu.memory_space<hbm>>
    %dma_wait3A_920 = arith.constant 0 : i32
    %dma_wait3A_921 = tpu.memref_slice %arg6[%add3A_776, %dma_wait3A_920] : memref<16384x128xf32, #tpu.memory_space<hbm>> -> memref<128x128xf32, #tpu.memory_space<hbm>>
    %dma_wait3A_922 = arith.constant 0 : i32
    %dma_wait3A_923 = arith.constant 0 : i32
    %dma_wait3A_924 = tpu.memref_slice %arg10[%dma_wait3A_913, %dma_wait3A_922, %dma_wait3A_923] : memref<4x128x128xf32, #tpu.memory_space<vmem>> -> memref<1x128x128xf32, #tpu.memory_space<vmem>>
    %dma_wait3A_925 = tpu.memref_squeeze %dma_wait3A_924 : memref<1x128x128xf32, #tpu.memory_space<vmem>> -> memref<128x128xf32, #tpu.memory_space<vmem>>
    tpu.wait_dma2 semaphore(%arg14 : memref<!tpu.dma_semaphore, #tpu.memory_space<semaphore_mem>>) src(%dma_wait3A_925 : memref<128x128xf32, #tpu.memory_space<vmem>>) dst(%dma_wait3A_921 : memref<128x128xf32, #tpu.memory_space<hbm>>)
    %dma_wait3A_926 = arith.constant 1 : i32
    %dma_wait3A_927 = arith.constant 0 : i32
    %dma_wait3A_928 = arith.constant 0 : i32
    %dma_wait3A_929 = tpu.memref_slice %arg10[%dma_wait3A_926, %dma_wait3A_927, %dma_wait3A_928] : memref<4x128x128xf32, #tpu.memory_space<vmem>> -> memref<1x128x128xf32, #tpu.memory_space<vmem>>
    %dma_wait3A_930 = tpu.memref_squeeze %dma_wait3A_929 : memref<1x128x128xf32, #tpu.memory_space<vmem>> -> memref<128x128xf32, #tpu.memory_space<vmem>>
    %dma_wait3A_931 = arith.constant 0 : i32
    %dma_wait3A_932 = tpu.memref_slice %arg6[%add3A_803, %dma_wait3A_931] : memref<16384x128xf32, #tpu.memory_space<hbm>> -> memref<128x128xf32, #tpu.memory_space<hbm>>
    %dma_wait3A_933 = arith.constant 0 : i32
    %dma_wait3A_934 = tpu.memref_slice %arg6[%add3A_803, %dma_wait3A_933] : memref<16384x128xf32, #tpu.memory_space<hbm>> -> memref<128x128xf32, #tpu.memory_space<hbm>>
    %dma_wait3A_935 = arith.constant 0 : i32
    %dma_wait3A_936 = arith.constant 0 : i32
    %dma_wait3A_937 = tpu.memref_slice %arg10[%dma_wait3A_926, %dma_wait3A_935, %dma_wait3A_936] : memref<4x128x128xf32, #tpu.memory_space<vmem>> -> memref<1x128x128xf32, #tpu.memory_space<vmem>>
    %dma_wait3A_938 = tpu.memref_squeeze %dma_wait3A_937 : memref<1x128x128xf32, #tpu.memory_space<vmem>> -> memref<128x128xf32, #tpu.memory_space<vmem>>
    tpu.wait_dma2 semaphore(%arg14 : memref<!tpu.dma_semaphore, #tpu.memory_space<semaphore_mem>>) src(%dma_wait3A_938 : memref<128x128xf32, #tpu.memory_space<vmem>>) dst(%dma_wait3A_934 : memref<128x128xf32, #tpu.memory_space<hbm>>)
    %dma_wait3A_939 = arith.constant 2 : i32
    %dma_wait3A_940 = arith.constant 0 : i32
    %dma_wait3A_941 = arith.constant 0 : i32
    %dma_wait3A_942 = tpu.memref_slice %arg10[%dma_wait3A_939, %dma_wait3A_940, %dma_wait3A_941] : memref<4x128x128xf32, #tpu.memory_space<vmem>> -> memref<1x128x128xf32, #tpu.memory_space<vmem>>
    %dma_wait3A_943 = tpu.memref_squeeze %dma_wait3A_942 : memref<1x128x128xf32, #tpu.memory_space<vmem>> -> memref<128x128xf32, #tpu.memory_space<vmem>>
    %dma_wait3A_944 = arith.constant 0 : i32
    %dma_wait3A_945 = tpu.memref_slice %arg6[%add3A_830, %dma_wait3A_944] : memref<16384x128xf32, #tpu.memory_space<hbm>> -> memref<128x128xf32, #tpu.memory_space<hbm>>
    %dma_wait3A_946 = arith.constant 0 : i32
    %dma_wait3A_947 = tpu.memref_slice %arg6[%add3A_830, %dma_wait3A_946] : memref<16384x128xf32, #tpu.memory_space<hbm>> -> memref<128x128xf32, #tpu.memory_space<hbm>>
    %dma_wait3A_948 = arith.constant 0 : i32
    %dma_wait3A_949 = arith.constant 0 : i32
    %dma_wait3A_950 = tpu.memref_slice %arg10[%dma_wait3A_939, %dma_wait3A_948, %dma_wait3A_949] : memref<4x128x128xf32, #tpu.memory_space<vmem>> -> memref<1x128x128xf32, #tpu.memory_space<vmem>>
    %dma_wait3A_951 = tpu.memref_squeeze %dma_wait3A_950 : memref<1x128x128xf32, #tpu.memory_space<vmem>> -> memref<128x128xf32, #tpu.memory_space<vmem>>
    tpu.wait_dma2 semaphore(%arg14 : memref<!tpu.dma_semaphore, #tpu.memory_space<semaphore_mem>>) src(%dma_wait3A_951 : memref<128x128xf32, #tpu.memory_space<vmem>>) dst(%dma_wait3A_947 : memref<128x128xf32, #tpu.memory_space<hbm>>)
    %dma_wait3A_952 = arith.constant 3 : i32
    %dma_wait3A_953 = arith.constant 0 : i32
    %dma_wait3A_954 = arith.constant 0 : i32
    %dma_wait3A_955 = tpu.memref_slice %arg10[%dma_wait3A_952, %dma_wait3A_953, %dma_wait3A_954] : memref<4x128x128xf32, #tpu.memory_space<vmem>> -> memref<1x128x128xf32, #tpu.memory_space<vmem>>
    %dma_wait3A_956 = tpu.memref_squeeze %dma_wait3A_955 : memref<1x128x128xf32, #tpu.memory_space<vmem>> -> memref<128x128xf32, #tpu.memory_space<vmem>>
    %dma_wait3A_957 = arith.constant 0 : i32
    %dma_wait3A_958 = tpu.memref_slice %arg6[%add3A_857, %dma_wait3A_957] : memref<16384x128xf32, #tpu.memory_space<hbm>> -> memref<128x128xf32, #tpu.memory_space<hbm>>
    %dma_wait3A_959 = arith.constant 0 : i32
    %dma_wait3A_960 = tpu.memref_slice %arg6[%add3A_857, %dma_wait3A_959] : memref<16384x128xf32, #tpu.memory_space<hbm>> -> memref<128x128xf32, #tpu.memory_space<hbm>>
    %dma_wait3A_961 = arith.constant 0 : i32
    %dma_wait3A_962 = arith.constant 0 : i32
    %dma_wait3A_963 = tpu.memref_slice %arg10[%dma_wait3A_952, %dma_wait3A_961, %dma_wait3A_962] : memref<4x128x128xf32, #tpu.memory_space<vmem>> -> memref<1x128x128xf32, #tpu.memory_space<vmem>>
    %dma_wait3A_964 = tpu.memref_squeeze %dma_wait3A_963 : memref<1x128x128xf32, #tpu.memory_space<vmem>> -> memref<128x128xf32, #tpu.memory_space<vmem>>
    tpu.wait_dma2 semaphore(%arg14 : memref<!tpu.dma_semaphore, #tpu.memory_space<semaphore_mem>>) src(%dma_wait3A_964 : memref<128x128xf32, #tpu.memory_space<vmem>>) dst(%dma_wait3A_960 : memref<128x128xf32, #tpu.memory_space<hbm>>)
    return
  }
}

module attributes {stable_mosaic.version = 14 : i64} {
  func.func @_stats_body(%arg0: i32, %arg1: memref<8192x128xf32, #tpu.memory_space<vmem>>, %arg2: memref<8192x128xbf16, #tpu.memory_space<vmem>>, %arg3: memref<64x128xf32, #tpu.memory_space<vmem>>, %arg4: memref<64x128xf32, #tpu.memory_space<vmem>>) attributes {dimension_semantics = [#tpu.dimension_semantics<arbitrary>], iteration_bounds = array<i64: 2>, scalar_prefetch = 0 : i64, scratch_operands = 0 : i64, tpu.core_type = #tpu.core_type<tc>, window_params = [{transform_indices = @transform_0, window_bounds = array<i64: 8192, 128>}, {transform_indices = @transform_1, window_bounds = array<i64: 8192, 128>}, {transform_indices = @transform_2, window_bounds = array<i64: 64, 128>}, {transform_indices = @transform_3, window_bounds = array<i64: 64, 128>}]} {
    %get3A = arith.constant 0 : index
    %get3A_0 = arith.constant 0 : index
    %get3A_1 = vector.load %arg1[%get3A, %get3A_0] : memref<8192x128xf32, #tpu.memory_space<vmem>>, vector<8192x128xf32>
    %exp3A = math.exp %get3A_1 : vector<8192x128xf32>
    %reduce_sum3A = arith.constant dense<0.000000e+00> : vector<8192xf32>
    %reduce_sum3A_2 = vector.multi_reduction <add>, %exp3A, %reduce_sum3A [1] : vector<8192x128xf32> to vector<8192xf32>
    %broadcast_in_dim3A = vector.shape_cast %reduce_sum3A_2 : vector<8192xf32> to vector<8192x1xf32>
    %div3A = vector.broadcast %broadcast_in_dim3A : vector<8192x1xf32> to vector<8192x128xf32>
    %div3A_3 = arith.divf %exp3A, %div3A : vector<8192x128xf32>
    %jit3A = arith.constant 9.99999974E-5 : f32
    %jit3A_4 = arith.constant 0.999899983 : f32
    %max3A = vector.broadcast %jit3A : f32 to vector<8192x128xf32>
    %max3A_5 = arith.maximumf %max3A, %div3A_3 : vector<8192x128xf32>
    %min3A = vector.broadcast %jit3A_4 : f32 to vector<8192x128xf32>
    %min3A_6 = arith.minimumf %min3A, %max3A_5 : vector<8192x128xf32>
    %convert_element_type3A = arith.truncf %min3A_6 : vector<8192x128xf32> to vector<8192x128xbf16>
    %swap3A = arith.constant 0 : index
    %swap3A_7 = arith.constant 0 : index
    %swap3A_8 = vector.load %arg2[%swap3A, %swap3A_7] : memref<8192x128xbf16, #tpu.memory_space<vmem>>, vector<8192x128xbf16>
    tpu.vector_store %arg2[%swap3A, %swap3A_7], %convert_element_type3A {strides = array<i32>} : memref<8192x128xbf16, #tpu.memory_space<vmem>>, vector<8192x128xbf16>,
    %reduce_sum3A_9 = arith.constant dense<0.000000e+00> : vector<8192xf32>
    %reduce_sum3A_10 = vector.multi_reduction <add>, %min3A_6, %reduce_sum3A_9 [1] : vector<8192x128xf32> to vector<8192xf32>
    %broadcast_in_dim3A_11 = vector.shape_cast %reduce_sum3A_10 : vector<8192xf32> to vector<8192x1xf32>
    %mul3A = arith.mulf %min3A_6, %min3A_6 : vector<8192x128xf32>
    %reduce_sum3A_12 = arith.constant dense<0.000000e+00> : vector<8192xf32>
    %reduce_sum3A_13 = vector.multi_reduction <add>, %mul3A, %reduce_sum3A_12 [1] : vector<8192x128xf32> to vector<8192xf32>
    %broadcast_in_dim3A_14 = vector.shape_cast %reduce_sum3A_13 : vector<8192xf32> to vector<8192x1xf32>
    %reshape3A = vector.shape_cast %broadcast_in_dim3A_11 : vector<8192x1xf32> to vector<64x128xf32>
    %reshape3A_15 = vector.shape_cast %broadcast_in_dim3A_14 : vector<8192x1xf32> to vector<64x128xf32>
    %reshape3A_16 = vector.shape_cast %broadcast_in_dim3A : vector<8192x1xf32> to vector<64x128xf32>
    %div3A_17 = arith.divf %reshape3A_15, %reshape3A : vector<64x128xf32>
    %swap3A_18 = arith.constant 0 : index
    %swap3A_19 = arith.constant 0 : index
    %swap3A_20 = vector.load %arg3[%swap3A_18, %swap3A_19] : memref<64x128xf32, #tpu.memory_space<vmem>>, vector<64x128xf32>
    tpu.vector_store %arg3[%swap3A_18, %swap3A_19], %div3A_17 {strides = array<i32>} : memref<64x128xf32, #tpu.memory_space<vmem>>, vector<64x128xf32>,
    %log3A = math.log %reshape3A_16 : vector<64x128xf32>
    %swap3A_21 = arith.constant 0 : index
    %swap3A_22 = arith.constant 0 : index
    %swap3A_23 = vector.load %arg4[%swap3A_21, %swap3A_22] : memref<64x128xf32, #tpu.memory_space<vmem>>, vector<64x128xf32>
    tpu.vector_store %arg4[%swap3A_21, %swap3A_22], %log3A {strides = array<i32>} : memref<64x128xf32, #tpu.memory_space<vmem>>, vector<64x128xf32>,
    return
  }
  func.func @transform_0(%arg0: i32) -> (i32, i32) {
    %c0_i32 = arith.constant 0 : i32
    %c0_i32_0 = arith.constant 0 : i32
    return %arg0, %c0_i32 : i32, i32
  }
  func.func @transform_1(%arg0: i32) -> (i32, i32) {
    %c0_i32 = arith.constant 0 : i32
    %c0_i32_0 = arith.constant 0 : i32
    return %arg0, %c0_i32 : i32, i32
  }
  func.func @transform_2(%arg0: i32) -> (i32, i32) {
    %c0_i32 = arith.constant 0 : i32
    %c0_i32_0 = arith.constant 0 : i32
    return %arg0, %c0_i32 : i32, i32
  }
  func.func @transform_3(%arg0: i32) -> (i32, i32) {
    %c0_i32 = arith.constant 0 : i32
    %c0_i32_0 = arith.constant 0 : i32
    return %arg0, %c0_i32 : i32, i32
  }
}

module attributes {stable_mosaic.version = 14 : i64} {
  func.func @_final_body(%arg0: i32, %arg1: memref<4096x128xbf16, #tpu.memory_space<vmem>>, %arg2: memref<4096x128xf32, #tpu.memory_space<vmem>>, %arg3: memref<32x128xf32, #tpu.memory_space<vmem>>, %arg4: memref<32x128xf32, #tpu.memory_space<vmem>>, %arg5: memref<32x128xf32, #tpu.memory_space<vmem>>, %arg6: memref<1x1xf32, #tpu.memory_space<vmem>>) attributes {dimension_semantics = [#tpu.dimension_semantics<arbitrary>], iteration_bounds = array<i64: 4>, scalar_prefetch = 0 : i64, scratch_operands = 0 : i64, tpu.core_type = #tpu.core_type<tc>, window_params = [{transform_indices = @transform_0, window_bounds = array<i64: 4096, 128>}, {transform_indices = @transform_1, window_bounds = array<i64: 4096, 128>}, {transform_indices = @transform_2, window_bounds = array<i64: 32, 128>}, {transform_indices = @transform_3, window_bounds = array<i64: 32, 128>}, {transform_indices = @transform_4, window_bounds = array<i64: 32, 128>}, {pipeline_mode = #tpu.pipeline_mode<synchronous>, transform_indices = @transform_5, window_bounds = array<i64: 1, 1>}]} {
    %eq3A = arith.constant 0 : i32
    %eq3A_0 = arith.cmpi eq, %arg0, %eq3A : i32
    %convert_element_type3A = arith.extui %eq3A_0 : i1 to i32
    %cond3A = arith.constant 0 : i32
    %cond3A_1 = arith.cmpi ne, %convert_element_type3A, %cond3A : i32
    scf.if %cond3A_1 {
      %broadcast_in_dim3A_48 = arith.constant 0.000000e+00 : f32
      %broadcast_in_dim3A_49 = vector.broadcast %broadcast_in_dim3A_48 : f32 to vector<1x1xf32>
      %swap3A_50 = arith.constant 0 : index
      %swap3A_51 = arith.constant 0 : index
      %swap3A_52 = vector.load %arg6[%swap3A_50, %swap3A_51] : memref<1x1xf32, #tpu.memory_space<vmem>>, vector<1x1xf32>
      tpu.vector_store %arg6[%swap3A_50, %swap3A_51], %broadcast_in_dim3A_49 {strides = array<i32>} : memref<1x1xf32, #tpu.memory_space<vmem>>, vector<1x1xf32>,
    } else {
    }
    %get3A = arith.constant 0 : index
    %get3A_2 = arith.constant 0 : index
    %get3A_3 = vector.load %arg1[%get3A, %get3A_2] : memref<4096x128xbf16, #tpu.memory_space<vmem>>, vector<4096x128xbf16>
    %convert_element_type3A_4 = arith.extf %get3A_3 : vector<4096x128xbf16> to vector<4096x128xf32>
    %get3A_5 = arith.constant 0 : index
    %get3A_6 = arith.constant 0 : index
    %get3A_7 = vector.load %arg2[%get3A_5, %get3A_6] : memref<4096x128xf32, #tpu.memory_space<vmem>>, vector<4096x128xf32>
    %mul3A = arith.mulf %get3A_7, %convert_element_type3A_4 : vector<4096x128xf32>
    %reduce_sum3A = arith.constant dense<0.000000e+00> : vector<4096xf32>
    %reduce_sum3A_8 = vector.multi_reduction <add>, %mul3A, %reduce_sum3A [1] : vector<4096x128xf32> to vector<4096xf32>
    %broadcast_in_dim3A = vector.shape_cast %reduce_sum3A_8 : vector<4096xf32> to vector<4096x1xf32>
    %reshape3A = vector.shape_cast %broadcast_in_dim3A : vector<4096x1xf32> to vector<32x128xf32>
    %mul3A_9 = arith.constant 0.699999988 : f32
    %mul3A_10 = vector.broadcast %mul3A_9 : f32 to vector<32x128xf32>
    %mul3A_11 = arith.mulf %mul3A_10, %reshape3A : vector<32x128xf32>
    %sub3A = arith.constant 1.000000e+00 : f32
    %sub3A_12 = vector.broadcast %sub3A : f32 to vector<32x128xf32>
    %sub3A_13 = arith.subf %sub3A_12, %mul3A_11 : vector<32x128xf32>
    %get3A_14 = arith.constant 0 : index
    %get3A_15 = arith.constant 0 : index
    %get3A_16 = vector.load %arg3[%get3A_14, %get3A_15] : memref<32x128xf32, #tpu.memory_space<vmem>>, vector<32x128xf32>
    %mul3A_17 = arith.constant 3.000000e-01 : f32
    %mul3A_18 = vector.broadcast %mul3A_17 : f32 to vector<32x128xf32>
    %mul3A_19 = arith.mulf %mul3A_18, %get3A_16 : vector<32x128xf32>
    %sub3A_20 = arith.subf %sub3A_13, %mul3A_19 : vector<32x128xf32>
    %log3A = math.log %sub3A_20 : vector<32x128xf32>
    %get3A_21 = arith.constant 0 : index
    %get3A_22 = arith.constant 0 : index
    %get3A_23 = vector.load %arg5[%get3A_21, %get3A_22] : memref<32x128xf32, #tpu.memory_space<vmem>>, vector<32x128xf32>
    %get3A_24 = arith.constant 0 : index
    %get3A_25 = arith.constant 0 : index
    %get3A_26 = vector.load %arg4[%get3A_24, %get3A_25] : memref<32x128xf32, #tpu.memory_space<vmem>>, vector<32x128xf32>
    %sub3A_27 = arith.subf %get3A_23, %get3A_26 : vector<32x128xf32>
    %reduce_sum3A_28 = vector.shape_cast %log3A : vector<32x128xf32> to vector<1x32x128xf32>
    %reduce_sum3A_29 = arith.constant dense<0.000000e+00> : vector<1xf32>
    %reduce_sum3A_30 = vector.multi_reduction <add>, %reduce_sum3A_28, %reduce_sum3A_29 [1, 2] : vector<1x32x128xf32> to vector<1xf32>
    %reduce_sum3A_31 = vector.shape_cast %reduce_sum3A_30 : vector<1xf32> to vector<1x1x1xf32>
    %reduce_sum3A_32 = vector.extract %reduce_sum3A_31[0, 0, 0] : f32 from vector<1x1x1xf32>
    %mul3A_33 = arith.constant 3.000000e+00 : f32
    %mul3A_34 = arith.mulf %mul3A_33, %reduce_sum3A_32 : f32
    %reduce_sum3A_35 = vector.shape_cast %sub3A_27 : vector<32x128xf32> to vector<1x32x128xf32>
    %reduce_sum3A_36 = arith.constant dense<0.000000e+00> : vector<1xf32>
    %reduce_sum3A_37 = vector.multi_reduction <add>, %reduce_sum3A_35, %reduce_sum3A_36 [1, 2] : vector<1x32x128xf32> to vector<1xf32>
    %reduce_sum3A_38 = vector.shape_cast %reduce_sum3A_37 : vector<1xf32> to vector<1x1x1xf32>
    %reduce_sum3A_39 = vector.extract %reduce_sum3A_38[0, 0, 0] : f32 from vector<1x1x1xf32>
    %sub3A_40 = arith.subf %mul3A_34, %reduce_sum3A_39 : f32
    %div3A = arith.constant 1.638400e+04 : f32
    %div3A_41 = arith.divf %sub3A_40, %div3A : f32
    %get3A_42 = arith.constant 0 : index
    %get3A_43 = arith.constant 0 : index
    %get3A_44 = vector.load %arg6[%get3A_42, %get3A_43] : memref<1x1xf32, #tpu.memory_space<vmem>>, vector<1x1xf32>
    %reshape3A_45 = vector.broadcast %div3A_41 : f32 to vector<1x1xf32>
    %add3A = arith.addf %get3A_44, %reshape3A_45 : vector<1x1xf32>
    %swap3A = arith.constant 0 : index
    %swap3A_46 = arith.constant 0 : index
    %swap3A_47 = vector.load %arg6[%swap3A, %swap3A_46] : memref<1x1xf32, #tpu.memory_space<vmem>>, vector<1x1xf32>
    tpu.vector_store %arg6[%swap3A, %swap3A_46], %add3A {strides = array<i32>} : memref<1x1xf32, #tpu.memory_space<vmem>>, vector<1x1xf32>,
    return
  }
  func.func @transform_0(%arg0: i32) -> (i32, i32) {
    %c0_i32 = arith.constant 0 : i32
    %c0_i32_0 = arith.constant 0 : i32
    return %arg0, %c0_i32 : i32, i32
  }
  func.func @transform_1(%arg0: i32) -> (i32, i32) {
    %c0_i32 = arith.constant 0 : i32
    %c0_i32_0 = arith.constant 0 : i32
    return %arg0, %c0_i32 : i32, i32
  }
  func.func @transform_2(%arg0: i32) -> (i32, i32) {
    %c0_i32 = arith.constant 0 : i32
    %c0_i32_0 = arith.constant 0 : i32
    return %arg0, %c0_i32 : i32, i32
  }
  func.func @transform_3(%arg0: i32) -> (i32, i32) {
    %c0_i32 = arith.constant 0 : i32
    %c0_i32_0 = arith.constant 0 : i32
    return %arg0, %c0_i32 : i32, i32
  }
  func.func @transform_4(%arg0: i32) -> (i32, i32) {
    %c0_i32 = arith.constant 0 : i32
    %c0_i32_0 = arith.constant 0 : i32
    return %arg0, %c0_i32 : i32, i32
  }
  func.func @transform_5(%arg0: i32) -> (i32, i32) {
    %c0_i32 = arith.constant 0 : i32
    %c0_i32_0 = arith.constant 0 : i32
    %c0_i32_1 = arith.constant 0 : i32
    return %c0_i32, %c0_i32_0 : i32, i32
  }
}

</mosaic_0001>

<sc_bundles>
// kernel: kernel.5.cloned.1.call-start
scs
__scs_entry_jumppad:
0x0: {  	(pc) =	sbr.rel $0x88, $3  }
0x1: {  	(tag) =	ssettag $0x0;
	lr =	simm.s32 $0x1  }
0x2: {  	[smem:$0x3F9D] =	sst lr;
	_ =	strace $0xD0000000  }
0x3: {  	_ = 	snop  }
0x4: {  	_ = 	snop  }
0x5: {  	_ = 	snop  }
0x6: {  	_ = 	snop  }
0x7: {  	_ = 	snop  }
__scs_overlays_trampoline_lowered:
0x8: {  	[smem:$0x3FAC] =	sst s0  }
0x9: {  	[smem:$0x3FAD] =	sst s1  }
0xa: {  	[smem:$0x3FAE] =	sst s2  }
0xb: {  	[smem:$0x3FAF] =	sst s3  }
0xc: {  	[smem:$0x3FB0] =	sst s4  }
0xd: {  	[smem:$0x3FB1] =	sst s5  }
0xe: {  	[smem:$0x3FB2] =	sst s6  }
0xf: {  	[smem:$0x3FB3] =	sst s7  }
0x10: {  	[smem:$0x3FB4] =	sst s8  }
0x11: {  	[smem:$0x3FB5] =	sst s9;
	s0 =	simm.s32 @!p0 $0x0  }
0x12: {  	s1 =	sld [smem:$0x3F9B];
	s0 =	simm.s32 @p0 $0x1  }
0x13: {  	[smem:$0x3FB6] =	sst s0;
	s0 =	simm.s32 @!p1 $0x0  }
0x14: {  	s2 =	sld [smem:$0x3F9A];
	s0 =	simm.s32 @p1 $0x1  }
0x15: {  	[smem:$0x3FB7] =	sst s0;
	s0 =	simm.s32 @!p2 $0x0  }
0x16: {  	s3 =	sld [smem:$0x3FDB];
	s0 =	simm.s32 @p2 $0x1  }
0x17: {  	s4 =	simm.s32 $0x1BF5;
	[smem:$0x3FB9] =	sst s0  }
0x18: {  	s0 =	sld [smem:$0x3F9C];
	_ =	swait.ge [sflag:s4], $0x0  }
0x19: {  	s7 =	sld [smem:$0x3F9D]  }
0x1a: {  	s8 =	sadd.s32 $0xFFFFE003, lr  }
0x1b: {  	s9 =	sadd.s32 $0xFFFFFEF7, lr;
	s5 =	simm.s32 $0xFFFFFFFF;
	p2 =	slt.u32 s8, $0xFFFFF086  }
0x1c: {  	p1 =	slt.u32 s9, $0xF7A;
	s5 =	simm.s32 @!p2 $0x0  }
0x1d: {  	s5 =	simm.s32 @p1 $0x1;
	p0 =	seq.s32 s7, s2  }
0x1e: {  	s7 =	smul.u32 @!p0 $0xF7A, s2;
	p2 =	seq.s32 @!p0 s5, $0x0  }
0x1f: {  	s9 =	smul.u32 $0xF7A, s1;
	s8 =	simm.s32 @!p0 $0x1BF5;
	p2 =	por !p2, p0  }
0x20: {  	[sflag:s8] =	ssyncset.s32 @!p0 $0xFFFFF086;
	s6 =	sadd.s32 @!p0 s3, s7;
	s7 =	simm.s32 @!p0 $0x108  }
0x21: {  	s3 =	sadd.s32 s3, s9;
	s6 =	sadd.s32 @!p0 $0x88, s6;
	s7 =	simm.s32 @p2 $0x1082  }
0x22: {  	[simem:s7], [sflag:s8] =	dma.local @!p0 [hbm:s6], $0xF7A  }
0x23: {  	s9 =	sor.u32 $0xD0000000, s2;
	s6 =	simm.s32 $0x108;
	_ =	swait.ge @!p0 [sflag:s8], $0x0  }
0x24: {  	s3 =	sadd.s32 $0x88, s3;
	s6 =	simm.s32 @!p1 $0x1082;
	[sflag:s4] =	ssyncset.s32 $0xFFFFF086  }
0x25: {  	[simem:s6], [sflag:s4] =	dma.local [hbm:s3], $0xF7A  }
0x26: {  	[smem:$0x3F9D] =	sst s1;
	(tag) =	ssettag s2;
	_ =	strace s9  }
0x27: {  	s1 =	sld [smem:$0x3FAD]  }
0x28: {  	s2 =	sld [smem:$0x3FAE]  }
0x29: {  	s4 =	sld [smem:$0x3FB0]  }
0x2a: {  	p0 =	seq.s32 s5, $0x0;
	s5 =	sld [smem:$0x3FB1]  }
0x2b: {  	s6 =	sld [smem:$0x3FB2]  }
0x2c: {  	s7 =	sld [smem:$0x3FB3]  }
0x2d: {  	s3 =	simm.s32 $0x108;
	s8 =	sld [smem:$0x3FB4]  }
0x2e: {  	s3 =	simm.s32 @!p0 $0x1082;
	s9 =	sld [smem:$0x3FB5]  }
0x2f: {  	lr =	sadd.s32 s0, s3;
	s0 =	sld [smem:$0x3FAC]  }
0x30: {  	s3 =	sld [smem:$0x3FAF]  }
0x31: {  	[smem:$0x3FB8] =	sst s10  }
0x32: {  	s10 =	sld [smem:$0x3FB6];
	_ =	sdelay $0x3  }
0x33: {  	p0 =	seq.s32 s10, $0x1;
	s10 =	sld [smem:$0x3FB8];
	_ =	sdelay $0x3  }
0x34: {  	[smem:$0x3FB8] =	sst s10  }
0x35: {  	s10 =	sld [smem:$0x3FB7];
	_ =	sdelay $0x3  }
0x36: {  	p1 =	seq.s32 s10, $0x1;
	s10 =	sld [smem:$0x3FB8];
	_ =	sdelay $0x3  }
0x37: {  	[smem:$0x3FB8] =	sst s10  }
0x38: {  	s10 =	sld [smem:$0x3FB9]  }
0x39: {  	_ = 	snop;
	(pc) =	sbr.ind lr, $3  }
0x3a: {  	_ = 	snop  }
0x3b: {  	_ = 	snop  }
0x3c: {  	p2 =	seq.s32 s10, $0x1;
	s10 =	sld [smem:$0x3FB8]  }
0x3d: {  	_ =	shalt  }
0x3e: {  	_ =	shalt  }
0x3f: {  	_ =	shalt  }
0x40: {  	_ =	shalt  }
0x41: {  	_ =	shalt  }
0x42: {  	_ =	shalt  }
0x43: {  	_ =	shalt  }
0x44: {  	_ =	shalt  }
0x45: {  	_ =	shalt  }
0x46: {  	_ =	shalt  }
0x47: {  	_ =	shalt  }
0x48: {  	_ =	shalt  }
0x49: {  	_ =	shalt  }
0x4a: {  	_ =	shalt  }
0x4b: {  	_ =	shalt  }
0x4c: {  	_ =	shalt  }
0x4d: {  	_ =	shalt  }
0x4e: {  	_ =	shalt  }
0x4f: {  	_ =	shalt  }
0x50: {  	_ =	shalt  }
0x51: {  	_ =	shalt  }
0x52: {  	_ =	shalt  }
0x53: {  	_ =	shalt  }
0x54: {  	_ =	shalt  }
0x55: {  	_ =	shalt  }
0x56: {  	_ =	shalt  }
0x57: {  	_ =	shalt  }
0x58: {  	_ =	shalt  }
0x59: {  	_ =	shalt  }
0x5a: {  	_ =	shalt  }
0x5b: {  	_ =	shalt  }
0x5c: {  	_ =	shalt  }
0x5d: {  	_ =	shalt  }
0x5e: {  	_ =	shalt  }
0x5f: {  	_ =	shalt  }
0x60: {  	_ =	shalt  }
0x61: {  	_ =	shalt  }
0x62: {  	_ =	shalt  }
0x63: {  	_ =	shalt  }
0x64: {  	_ =	shalt  }
0x65: {  	_ =	shalt  }
0x66: {  	_ =	shalt  }
0x67: {  	_ =	shalt  }
0x68: {  	_ =	shalt  }
0x69: {  	_ =	shalt  }
0x6a: {  	_ =	shalt  }
0x6b: {  	_ =	shalt  }
0x6c: {  	_ =	shalt  }
0x6d: {  	_ =	shalt  }
0x6e: {  	_ =	shalt  }
0x6f: {  	_ =	shalt  }
0x70: {  	_ =	shalt  }
0x71: {  	_ =	shalt  }
0x72: {  	_ =	shalt  }
0x73: {  	_ =	shalt  }
0x74: {  	_ =	shalt  }
0x75: {  	_ =	shalt  }
0x76: {  	_ =	shalt  }
0x77: {  	_ =	shalt  }
0x78: {  	_ =	shalt  }
0x79: {  	_ =	shalt  }
0x7a: {  	_ =	shalt  }
0x7b: {  	_ =	shalt  }
0x7c: {  	_ =	shalt  }
0x7d: {  	_ =	shalt  }
0x7e: {  	_ =	shalt  }
0x7f: {  	_ =	shalt  }
0x80: {  	_ =	shalt  }
0x81: {  	_ =	shalt  }
0x82: {  	_ =	shalt  }
0x83: {  	_ =	shalt  }
0x84: {  	_ =	shalt  }
0x85: {  	_ =	shalt  }
0x86: {  	_ =	shalt  }
0x87: {  	_ =	shalt  }
.Lfunc_end0:
.L_simem_size_0:
called_computation_lowered:
.L_overlay_start_0:
0x88: {  	s2 =	sld [smem:$0x3FD9]  }
0x89: {  	s3 =	sld [smem:$0x3FFE];
	_ =	sdelay $0x1  }
0x8a: {  	s1 =	srdreg.scid  }
0x8b: {  	s0 =	sand.u32 $0x1, s1  }
0x8c: {  	s17 =	sshll.u32 s0, $0xA;
	s2 =	sadd.s32 s3, s2  }
0x8d: {  	s2 =	sadd.s32 s2, s17  }
0x8e: {  	[smem:$0x3FC4] =	sst s2  }
0x8f: {  	_ = 	snop  }
0x90: {  	s2 =	sld [smem:$0x3FC9]  }
0x91: {  	s18 =	sld [smem:$0x3FC8]  }
0x92: {  	s4 =	sld [smem:$0x3FC7]  }
0x93: {  	s5 =	sld [smem:$0x3FC6];
	(tm) =	ssettm $0x1  }
0x94: {  	s6 =	sld [smem:$0x3FFB];
	_ =	sdelay $0x3  }
0x95: {  	_ =	strace s6  }
0x96: {  	s6 =	sld [smem:$0x3FFC];
	_ =	sdelay $0x3  }
0x97: {  	_ =	strace s6  }
0x98: {  	s6 =	sld [smem:$0x3FFD];
	_ =	sdelay $0x3  }
0x99: {  	_ =	strace s6  }
0x9a: {  	_ =	strace $0x8FFFFFFF  }
0x9b: {  	s19 =	sld [smem:$0x3FDB];
	_ =	sdelay $0x1  }
0x9c: {  	s7 =	simm.s32 $_scs_section_size  }
0x9d: {  	s8 =	simm.s32 $_size__tile_overlayer_lowered;
	s9 =	simm.s32 $_tile_overlayer_lowered  }
0x9e: {  	s22 =	simm.s32 $0x1BFF;
	s21 =	sshll.u32 s9, $0x1;
	s6 =	sadd.s32 s7, s19  }
0x9f: {  	s10 =	simm.s32 $0x0;
	s20 =	sshll.u32 s8, $0x1;
	s8 =	sadd.s32 s21, s6  }
0xa0: {  	[timem:s10], [sflag:s22] =	dma.local [hbm:s8], s20  }
0xa1: {  	_ =	swait.ge [sflag:s22], s20  }
0xa2: {  	s7 =	ssub.s32 $0x0, s20;
	[sflag:s22] =	ssyncset.done $0x0  }
0xa3: {  	[sflag:s22] =	ssyncadd.s32 s7;
	_ =	sdelay $0x1  }
0xa4: {  	s23 =	simm.s32 $0x1B8B  }
0xa5: {  	_ =	swait.ge [sflag:s23], $0x1  }
0xa6: {  	[sflag:s23] =	ssyncset.done $0x0  }
0xa7: {  	s25 =	simm.s32 $0x1B8E;
	s24 =	sld [smem:$0x3FFE];
	[sflag:s23] =	ssyncadd.s32 $0xFFFFFFFF  }
0xa8: {  	s26 =	simm.s32 $execute0_lowered;
	[smem:$0x3FD2] =	sst s25  }
0xa9: {  	s8 =	sshll.u32 s26, $0x1;
	_ =	strace $0x80000046;
	[dreg:$0x1] =	wrdreg $0xFFFFFFFF  }
0xaa: {  	s28 =	simm.s32 $_size_execute0_lowered;
	s6 =	sadd.s32 s6, s8;
	[dreg:$0x0] =	wrdreg $0x0  }
0xab: {  	s8 =	sshll.u32 s28, $0x1;
	[dreg:$0x2] =	wrdreg s6  }
0xac: {  	[dreg:$0x3] =	wrdreg s8  }
0xad: {  	[dreg:$0x4] =	wrdreg $0xC0  }
0xae: {  	_ =	task [dreg:s10], $0x5FFFF  }
0xaf: {  	[dreg:$0x1] =	wrdreg $0xFFFFFFFF  }
0xb0: {  	[dreg:$0x0] =	wrdreg $0x60  }
0xb1: {  	[dreg:$0x2] =	wrdreg s2  }
0xb2: {  	[dreg:$0x3] =	wrdreg s4  }
0xb3: {  	[dreg:$0x4] =	wrdreg s18  }
0xb4: {  	[dreg:$0x5] =	wrdreg s5  }
0xb5: {  	[dreg:$0x6] =	wrdreg s24  }
0xb6: {  	[dreg:$0x7] =	wrdreg $0x9  }
0xb7: {  	_ =	task.clear_ibuf [dreg:s10], $0x8FFFF;
	_ =	strace $0x90000046  }
0xb8: {  	s29 =	simm.s32 $0x9;
	_ =	strace $0x80000048  }
0xb9: {  	_ =	swait.ge [sflag:s29], $0x1  }
0xba: {  	[sflag:s29] =	ssyncadd.s32 $0xFFFFFFFF  }
0xbb: {  	_ =	strace $0x90000048  }
0xbc: {  	_ =	sfence  }
0xbd: {  	s30 =	sld [smem:$0x0];
	_ =	sdelay $0x2  }
0xbe: {  	s31 =	sshll.u32 s1, $0xD;
	s1 =	sshrl.u32 s1, $0x2  }
0xbf: {  	s3 =	sand.u32 $0x4000, s31;
	s1 =	sadd.s32 s1, s30  }
0xc0: {  	s0 =	sor.u32 s3, s0;
	s1 =	sshll.u32 s1, $0x11  }
0xc1: {  	s0 =	sor.u32 s1, s0  }
0xc2: {  	s0 =	sadd.s32 $0x8F2B, s0  }
0xc3: {  	[sflag:s0] =	ssyncadd.remote.s32 $0x1  }
0xc4: {  	_ =	sfence.sel $0xFFFF  }
0xc5: {  	[dreg:$0x0] =	wrdreg $0xFFFFFFFF;
	(pc) =	sbr.abs _section_cstart, $3  }
0xc6: {  	[dreg:$0x1] =	wrdreg $0xFFFFFFFF  }
0xc7: {  	_ =	task.clear_ibuf [dreg:s10], $0x2FFFF;
	_ =	strace $0x9FFFFFFF  }
0xc8: {  	(tm) =	ssettm $0x7FFFFFFF  }
0xc9: {  	_ =	shalt  }
tec
execute0_lowered:
.L_overlay_start_1:
0x0: {  	(tag) =	ssettag $0x1  }
0x1: {  	s3 =	rddreg [dreg:$0x0];
	s1 =	srdreg.scid  }
0x2: {  	s0 =	stileid.u32;
	s6 =	rddreg [dreg:$0x1]  }
0x3: {  	s4 =	rddreg [dreg:$0x2];
	s23 =	sand.u32 $0x1, s1;
	s16 =	sshll.u32 s0, $0x1  }
0x4: {  	s5 =	rddreg [dreg:$0x3];
	s24 =	sor.u32 s23, s16  }
0x5: {  	s25 =	rddreg [dreg:$0x4];
	s15 =	sshll.u32 s24, $0x9  }
0x6: {  	s2 =	simm.s32 $0x0;
	s8 =	sshll.u32 s23, $0x9;
	s7 =	sand.u32 $0x3C00, s15  }
0x7: {  	[smem:$0x7FF] =	sst s2;
	s7 =	sor.u32 s8, s7  }
0x8: {  	s9 =	simm.s32 $0x400;
	_ =	strace $0x80000047;
	s26 =	sshrl.u32 s7, $0x3  }
0x9: {  	s10 =	sor.u32 $0x10, s15;
	s11 =	sor.u32 $0x20, s15;
	s3 =	sadd.s32 s3, s26  }
0xa: {  	s12 =	sor.u32 $0x30, s15;
	s13 =	sor.u32 $0x40, s15;
	[dreg:$0x6] =	wrdreg s3  }
0xb: {  	s14 =	sor.u32 $0x50, s15;
	s3 =	simm.s32 $0x4;
	s17 =	rddreg [dreg:$0x6]  }
0xc: {  	[tilespmem:s2], [sflag:$0x4] =	stream.linear.gather [hbm4b:s17+s2], $0x200, $0x38;
	[tilespmem:$0x10600] =	vst v63  }
0xd: {  	s16 =	sor.u32 $0x60, s15;
	s28 =	sor.u32 $0x80, s15;
	_ =	swait.ge [sflag:s3], $0x200  }
0xe: {  	s18 =	sor.u32 $0xB0, s15;
	s19 =	sor.u32 $0xC0, s15;
	[sflag:s3] =	ssyncset.done $0x0  }
0xf: {  	s7 =	simm.s32 $0x200;
	s6 =	sadd.s32 s6, s26;
	[sflag:s3] =	ssyncadd.s32 $0xFFFFFE00  }
0x10: {  	[tilespmem:s7], [sflag:$0x4] =	stream.linear.gather [hbm4b:s6+s2], $0x200, $0x38;
	[tilespmem:$0x10600] =	vst v63  }
0x11: {  	s20 =	sor.u32 $0xD0, s15;
	s21 =	sor.u32 $0xE0, s15;
	_ =	swait.ge [sflag:s3], $0x200  }
0x12: {  	v0 =	vlaneseq.u32;
	s29 =	sor.u32 $0x100, s15;
	s22 =	sor.u32 $0x150, s15;
	[sflag:s3] =	ssyncset.done $0x0  }
0x13: {  	v31 =	vmul.u32 $0x80, v0;
	v30 =	vmov s15;
	s1 =	sor.u32 $0x1B0, s15;
	s8 =	simm.s32 $0x80;
	v0 =	vmov s10;
	[sflag:s3] =	ssyncadd.s32 $0xFFFFFE00  }
0x14: {  	v1 =	vmov s12;
	v27 =	vmov s11;
	[tilespmem:s9], [sflag:$0x1] =	stream.indirect.gather [hbm4b:s5+s8], $0x80, s2, s8, $0xb8;
	[tilespmem:$0x10600] =	vst v63  }
0x15: {  	s30 =	sor.u32 $0x180, s15;
	s10 =	simm.s32 $0x4400;
	v24 =	vmov s14;
	s11 =	simm.s32 $0x100;
	v23 =	vmov s16;
	v21 =	vmov s28  }
0x16: {  	v18 =	vmov s19;
	v17 =	vmov s20;
	[tilespmem:s10], [sflag:$0x1] =	stream.indirect.gather [hbm4b:s5+s8], $0x80, s8, s8, $0xb8;
	[tilespmem:$0x10600] =	vst v63  }
0x17: {  	s12 =	simm.s32 $0x8400;
	s14 =	simm.s32 $0x180;
	v16 =	vmov s21;
	v15 =	vmov s29;
	s21 =	sor.u32 $0x140, s15;
	v11 =	vmov s22  }
0x18: {  	v3 =	vmov s1;
	v9 =	vmov s30;
	[tilespmem:s12], [sflag:$0x1] =	stream.indirect.gather [hbm4b:s5+s8], $0x80, s11, s8, $0xb8;
	[tilespmem:$0x10600] =	vst v63  }
0x19: {  	s19 =	sor.u32 $0x1C0, s15;
	s20 =	sor.u32 $0x1E0, s15;
	v29 =	vshll.u32 v0, $0x7;
	v0 =	vshll.u32 v1, $0x7;
	v1 =	vmov s13;
	s13 =	simm.s32 $0xC400  }
0x1a: {  	v12 =	vmov s21;
	v3 =	vshll.u32 v3, $0x7;
	v13 =	vmov s19;
	[tilespmem:s13], [sflag:$0x1] =	stream.indirect.gather [hbm4b:s5+s8], $0x80, s14, s8, $0xb8;
	[tilespmem:$0x10600] =	vst v63  }
0x1b: {  	s22 =	sor.u32 $0x1A0, s15;
	v14 =	vmov s20;
	v26 =	vshll.u32 v1, $0x7;
	v1 =	vmov s18;
	s18 =	sor.u32 $0x130, s15;
	v5 =	vld [tilespmem:$0x3F0]  }
0x1c: {  	s21 =	sor.u32 $0x1D0, s15;
	v38 =	vmov s22;
	v49 =	vshll.u32 v21, $0x7;
	v2 =	vmov s18;
	s18 =	sor.u32 $0x1F0, s15;
	v6 =	vld [tilespmem:$0x3B0]  }
0x1d: {  	v3 =	vor.u32 v31, v3;
	v20 =	vmov s21;
	v4 =	vmov s18;
	v25 =	vld [tilespmem:$0x330]  }
0x1e: {  	v14 =	vshll.u32 v14, $0x7;
	v13 =	vshll.u32 v13, $0x7;
	v4 =	vshll.u32 v4, $0x7;
	v36 =	vld [tilespmem:$0x290]  }
0x1f: {  	s21 =	sor.u32 $0x90, s15;
	v29 =	vor.u32 v31, v29;
	v1 =	vshll.u32 v1, $0x7;
	v4 =	vor.u32 v31, v4;
	v54 =	vld [tilespmem:$0x210]  }
0x20: {  	v46 =	vmov s21;
	v2 =	vshll.u32 v2, $0x7;
	v7 =	vld [tilespmem:$0x3E0];
	v28 =	vadd.s32 v4, v5  }
0x21: {  	v47 =	vshll.u32 v46, $0x7;
	v2 =	vor.u32 v31, v2;
	v8 =	vld [tilespmem:$0x3D0];
	v32 =	vadd.s32 v3, v6;
	[tilespmem:$0x3F0] =	vst v28  }
0x22: {  	v20 =	vshll.u32 v20, $0x7;
	v21 =	vor.u32 v31, v47;
	v19 =	vld [tilespmem:$0x3C0];
	v25 =	vadd.s32 v2, v25;
	[tilespmem:$0x3B0] =	vst v32  }
0x23: {  	v1 =	vor.u32 v31, v1;
	s17 =	sor.u32 $0x70, s15;
	v5 =	vor.u32 v31, v14;
	v14 =	vld [tilespmem:$0x3A0];
	v36 =	vadd.s32 v21, v36;
	[tilespmem:$0x330] =	vst v25  }
0x24: {  	v22 =	vmov s17;
	s17 =	sor.u32 $0x160, s15;
	v6 =	vor.u32 v31, v20;
	v20 =	vld [tilespmem:$0x390];
	v61 =	vadd.s32 v29, v54;
	[tilespmem:$0x290] =	vst v36  }
0x25: {  	s1 =	sor.u32 $0x190, s15;
	v10 =	vmov s17;
	v28 =	vadd.s32 v5, v7;
	v7 =	vor.u32 v31, v13;
	v13 =	vld [tilespmem:$0x380];
	[tilespmem:$0x210] =	vst v61  }
0x26: {  	v33 =	vld [tilespmem:$0x360];
	v8 =	vadd.s32 v6, v8;
	v32 =	vshll.u32 v38, $0x7;
	[tilespmem:$0x3E0] =	vst v28;
	v28 =	vmov s1  }
0x27: {  	v39 =	vld [tilespmem:$0x350];
	v19 =	vadd.s32 v7, v19;
	[tilespmem:$0x3D0] =	vst v8;
	v8 =	vor.u32 v31, v32;
	v28 =	vshll.u32 v28, $0x7  }
0x28: {  	v25 =	vld [tilespmem:$0x340];
	[tilespmem:$0x3C0] =	vst v19;
	v19 =	vshll.u32 v9, $0x7;
	v9 =	vor.u32 v31, v28;
	v14 =	vadd.s32 v8, v14  }
0x29: {  	v28 =	vshll.u32 v10, $0x7;
	v10 =	vor.u32 v31, v19;
	v19 =	vld [tilespmem:$0x2B0];
	v20 =	vadd.s32 v9, v20;
	[tilespmem:$0x3A0] =	vst v14  }
0x2a: {  	v14 =	vshll.u32 v11, $0x7;
	v11 =	vor.u32 v31, v28;
	v28 =	vld [tilespmem:$0x320];
	v13 =	vadd.s32 v10, v13;
	[tilespmem:$0x390] =	vst v20  }
0x2b: {  	s18 =	sor.u32 $0x120, s15;
	v34 =	vld [tilespmem:$0x310];
	v20 =	vshll.u32 v12, $0x7;
	v12 =	vor.u32 v31, v14;
	v14 =	vadd.s32 v11, v33;
	[tilespmem:$0x380] =	vst v13  }
0x2c: {  	s19 =	sor.u32 $0x110, s15;
	v40 =	vmov s18;
	v13 =	vor.u32 v31, v20;
	v20 =	vld [tilespmem:$0x300];
	v32 =	vadd.s32 v12, v39;
	[tilespmem:$0x360] =	vst v14  }
0x2d: {  	v35 =	vld [tilespmem:$0x2E0];
	v33 =	vshll.u32 v40, $0x7;
	v14 =	vmov s19;
	v25 =	vadd.s32 v13, v25;
	[tilespmem:$0x350] =	vst v32  }
0x2e: {  	v42 =	vld [tilespmem:$0x2D0];
	v41 =	vshll.u32 v14, $0x7;
	v14 =	vor.u32 v31, v33;
	v19 =	vadd.s32 v1, v19;
	[tilespmem:$0x340] =	vst v25  }
0x2f: {  	v43 =	vld [tilespmem:$0x2C0];
	v25 =	vshll.u32 v15, $0x7;
	v15 =	vor.u32 v31, v41;
	[tilespmem:$0x2B0] =	vst v19;
	v19 =	vadd.s32 v14, v28  }
0x30: {  	v51 =	vld [tilespmem:$0x240];
	v28 =	vshll.u32 v16, $0x7;
	v16 =	vor.u32 v31, v25;
	v34 =	vadd.s32 v15, v34;
	[tilespmem:$0x320] =	vst v19  }
0x31: {  	v25 =	vld [tilespmem:$0x230];
	v19 =	vshll.u32 v17, $0x7;
	v17 =	vor.u32 v31, v28;
	v20 =	vadd.s32 v16, v20;
	[tilespmem:$0x310] =	vst v34  }
0x32: {  	v44 =	vshll.u32 v18, $0x7;
	v28 =	vld [tilespmem:$0x2A0];
	v18 =	vor.u32 v31, v19;
	v35 =	vadd.s32 v17, v35;
	[tilespmem:$0x300] =	vst v20  }
0x33: {  	s20 =	sor.u32 $0xA0, s15;
	v53 =	vshll.u32 v24, $0x7;
	v45 =	vld [tilespmem:$0x280];
	v19 =	vor.u32 v31, v44;
	v33 =	vadd.s32 v18, v42;
	[tilespmem:$0x2E0] =	vst v35  }
0x34: {  	v26 =	vor.u32 v31, v26;
	v37 =	vld [tilespmem:$0x270];
	v20 =	vmov s20;
	v32 =	vadd.s32 v19, v43;
	[tilespmem:$0x2D0] =	vst v33  }
0x35: {  	v0 =	vor.u32 v31, v0;
	v48 =	vld [tilespmem:$0x260];
	v20 =	vshll.u32 v20, $0x7;
	[tilespmem:$0x2C0] =	vst v32;
	v32 =	vadd.s32 v26, v51  }
0x36: {  	v56 =	vshll.u32 v27, $0x7;
	v50 =	vld [tilespmem:$0x250];
	v20 =	vor.u32 v31, v20;
	v25 =	vadd.s32 v0, v25;
	[tilespmem:$0x240] =	vst v32  }
0x37: {  	v52 =	vld [tilespmem:$0x370];
	[tilespmem:$0x230] =	vst v25;
	v25 =	vadd.s32 v20, v28;
	v28 =	vshll.u32 v22, $0x7;
	v22 =	vor.u32 v31, v49  }
0x38: {  	s22 =	sor.u32 $0x170, s15;
	v38 =	vld [tilespmem:$0x220];
	[tilespmem:$0x2A0] =	vst v25;
	v25 =	vshll.u32 v23, $0x7;
	v23 =	vor.u32 v31, v28;
	v28 =	vadd.s32 v22, v45  }
0x39: {  	v55 =	vld [tilespmem:$0x2F0];
	v24 =	vor.u32 v31, v25;
	v37 =	vadd.s32 v23, v37;
	[tilespmem:$0x280] =	vst v28;
	v28 =	vmov s22  }
0x3a: {  	s15 =	sor.u32 $0xF0, s15;
	v39 =	vld [tilespmem:$0x200];
	v25 =	vor.u32 v31, v53;
	v35 =	vadd.s32 v24, v48;
	[tilespmem:$0x270] =	vst v37;
	v28 =	vshll.u32 v28, $0x7  }
0x3b: {  	v57 =	vmov s15;
	v33 =	vadd.s32 v25, v50;
	[tilespmem:$0x260] =	vst v35;
	v27 =	vor.u32 v31, v28  }
0x3c: {  	[tilespmem:$0x250] =	vst v33;
	v28 =	vor.u32 v31, v56;
	v33 =	vshll.u32 v57, $0x7;
	v58 =	vadd.s32 v27, v52  }
0x3d: {  	v60 =	vshll.u32 v30, $0x7;
	v59 =	vadd.s32 v28, v38;
	v30 =	vor.u32 v31, v33;
	[tilespmem:$0x370] =	vst v58  }
0x3e: {  	v31 =	vor.u32 v31, v60;
	[tilespmem:$0x220] =	vst v59;
	v62 =	vadd.s32 v30, v55  }
0x3f: {  	v63 =	vadd.s32 v31, v39;
	[tilespmem:$0x2F0] =	vst v62  }
0x40: {  	s15 =	simm.s32 $0x10400;
	[tilespmem:$0x200] =	vst v63  }
0x41: {  	[tilespmem:s15], [sflag:$0x2] =	stream.indirect.gather [hbm4b:s4+s8], $0x1, s7, s8, $0xb8;
	[tilespmem:$0x10600] =	vst v63  }
0x42: {  	s16 =	simm.s32 $0x280;
	s17 =	simm.s32 $0x10480  }
0x43: {  	[tilespmem:s17], [sflag:$0x2] =	stream.indirect.gather [hbm4b:s4+s8], $0x1, s16, s8, $0xb8;
	[tilespmem:$0x10600] =	vst v63  }
0x44: {  	s31 =	sadd.s32 $0x1000, s25;
	s18 =	simm.s32 $0x300;
	s19 =	simm.s32 $0x10500  }
0x45: {  	[tilespmem:s19], [sflag:$0x2] =	stream.indirect.gather [hbm4b:s4+s8], $0x1, s18, s8, $0xb8;
	[tilespmem:$0x10600] =	vst v63  }
0x46: {  	s21 =	simm.s32 $0x380;
	s20 =	simm.s32 $0x1;
	s22 =	simm.s32 $0x10580  }
0x47: {  	[tilespmem:s22], [sflag:$0x2] =	stream.indirect.gather [hbm4b:s4+s8], $0x1, s21, s8, $0xb8;
	[tilespmem:$0x10600] =	vst v63  }
0x48: {  	s23 =	ssub.s32 $0x2, s23;
	s24 =	sshll.u32 s24, $0xD;
	_ =	swait.ge [sflag:s20], $0x4000  }
0x49: {  	s24 =	sadd.s32 s31, s24;
	s1 =	sshll.u32 s28, $0x4;
	[sflag:s20] =	ssyncset.done $0x0  }
0x4a: {  	s28 =	sshll.u32 s29, $0x4;
	s29 =	sshrl.u32 s23, $0x1;
	[sflag:s20] =	ssyncadd.s32 $0xFFFFC000  }
0x4b: {  	[hbm4b:s24+s2] =	stream.linear.scatter [tilespmem:s9], [sflag:$0x3], $0x4000, $0x38;
	[tilespmem:$0x10600] =	vst v63  }
0x4c: {  	s23 =	ssub.s32 s23, s29;
	_ =	swait.ge [sflag:s20], $0x4000  }
0x4d: {  	s25 =	sadd.s32 s26, s25;
	s23 =	smax.u32 s23, $0x1;
	[sflag:s20] =	ssyncset.done $0x0  }
0x4e: {  	s26 =	sadd.s32 s31, s1;
	p0 =	sne.s32 s23, $0x1;
	[sflag:s20] =	ssyncadd.s32 $0xFFFFC000  }
0x4f: {  	[hbm4b:s26+s2] =	stream.linear.scatter [tilespmem:s10], [sflag:$0x3], $0x4000, $0x38;
	[tilespmem:$0x10600] =	vst v63  }
.Ltmp0:
0x50: {  	s25 =	sadd.s32 $0x41000, s25;
	(pc) =	sbr.rel @!p0 .LBB2_2-.Ltmp0, $4  }
0x51: {  	s29 =	sadd.s32 s31, s28;
	s28 =	sshll.u32 s30, $0x4;
	_ =	swait.ge [sflag:s20], $0x4000  }
0x52: {  	s30 =	sadd.s32 s31, s28;
	s28 =	simm.s32 $0x2;
	[sflag:s20] =	ssyncset.done $0x0  }
0x53: {  	s31 =	sadd.s32 $0xFFFFFFFF, s23;
	s23 =	simm.s32 $0x3;
	[sflag:s20] =	ssyncadd.s32 $0xFFFFC000  }
0x54: {  	[hbm4b:s29+s2] =	stream.linear.scatter [tilespmem:s12], [sflag:$0x3], $0x4000, $0x38;
	[tilespmem:$0x10600] =	vst v63  }
.LBB2_1:
0x55: {  	_ =	swait.ge [sflag:s20], $0x4000  }
0x56: {  	[sflag:s20] =	ssyncset.done $0x0  }
0x57: {  	[sflag:s20] =	ssyncadd.s32 $0xFFFFC000  }
0x58: {  	[hbm4b:s30+s2] =	stream.linear.scatter [tilespmem:s13], [sflag:$0x3], $0x4000, $0x38;
	[tilespmem:$0x10600] =	vst v63  }
0x59: {  	_ =	swait.ge [sflag:s28], $0x80  }
0x5a: {  	[sflag:s28] =	ssyncset.done $0x0  }
0x5b: {  	[sflag:s28] =	ssyncadd.s32 $0xFFFFFF80  }
0x5c: {  	_ =	swait.ge [sflag:s28], $0x80  }
0x5d: {  	[sflag:s28] =	ssyncset.done $0x0  }
0x5e: {  	[sflag:s28] =	ssyncadd.s32 $0xFFFFFF80  }
0x5f: {  	_ =	swait.ge [sflag:s28], $0x80  }
0x60: {  	[sflag:s28] =	ssyncset.done $0x0  }
0x61: {  	[sflag:s28] =	ssyncadd.s32 $0xFFFFFF80  }
0x62: {  	_ =	swait.ge [sflag:s28], $0x80  }
0x63: {  	[sflag:s28] =	ssyncset.done $0x0  }
0x64: {  	[sflag:s28] =	ssyncadd.s32 $0xFFFFFF80  }
0x65: {  	[hbm4b:s25+s2] =	stream.linear.scatter [tilespmem:s15], [sflag:$0x4], $0x200, $0x38;
	[tilespmem:$0x10600] =	vst v63  }
0x66: {  	_ =	swait.ge [sflag:s3], $0x200  }
0x67: {  	[sflag:s3] =	ssyncset.done $0x0  }
0x68: {  	[sflag:s3] =	ssyncadd.s32 $0xFFFFFE00  }
0x69: {  	_ =	swait.ge [sflag:s23], $0x4000  }
0x6a: {  	[sflag:s23] =	ssyncset.done $0x0  }
0x6b: {  	[sflag:s23] =	ssyncadd.s32 $0xFFFFC000  }
0x6c: {  	_ =	swait.ge [sflag:s23], $0x4000  }
0x6d: {  	[sflag:s23] =	ssyncset.done $0x0  }
0x6e: {  	[sflag:s23] =	ssyncadd.s32 $0xFFFFC000  }
0x6f: {  	_ =	swait.ge [sflag:s23], $0x4000  }
0x70: {  	[sflag:s23] =	ssyncset.done $0x0  }
0x71: {  	[sflag:s23] =	ssyncadd.s32 $0xFFFFC000  }
0x72: {  	_ =	swait.ge [sflag:s23], $0x4000  }
0x73: {  	[sflag:s23] =	ssyncset.done $0x0  }
0x74: {  	s1 =	rddreg [dreg:$0x6];
	[sflag:s23] =	ssyncadd.s32 $0xFFFFC000  }
0x75: {  	[tilespmem:s2], [sflag:$0x4] =	stream.linear.gather [hbm4b:s1+s2], $0x200, $0x38;
	[tilespmem:$0x10600] =	vst v63  }
0x76: {  	_ =	swait.ge [sflag:s3], $0x200  }
0x77: {  	[sflag:s3] =	ssyncset.done $0x0  }
0x78: {  	[sflag:s3] =	ssyncadd.s32 $0xFFFFFE00  }
0x79: {  	[tilespmem:s7], [sflag:$0x4] =	stream.linear.gather [hbm4b:s6+s2], $0x200, $0x38;
	[tilespmem:$0x10600] =	vst v63  }
0x7a: {  	_ =	swait.ge [sflag:s3], $0x200  }
0x7b: {  	[sflag:s3] =	ssyncset.done $0x0  }
0x7c: {  	[sflag:s3] =	ssyncadd.s32 $0xFFFFFE00  }
0x7d: {  	[tilespmem:s9], [sflag:$0x1] =	stream.indirect.gather [hbm4b:s5+s8], $0x80, s2, s8, $0xb8;
	[tilespmem:$0x10600] =	vst v63  }
0x7e: {  	_ = 	snop  }
0x7f: {  	[tilespmem:s10], [sflag:$0x1] =	stream.indirect.gather [hbm4b:s5+s8], $0x80, s8, s8, $0xb8;
	[tilespmem:$0x10600] =	vst v63  }
0x80: {  	_ = 	snop  }
0x81: {  	[tilespmem:s12], [sflag:$0x1] =	stream.indirect.gather [hbm4b:s5+s8], $0x80, s11, s8, $0xb8;
	[tilespmem:$0x10600] =	vst v63  }
0x82: {  	_ = 	snop  }
0x83: {  	[tilespmem:s13], [sflag:$0x1] =	stream.indirect.gather [hbm4b:s5+s8], $0x80, s14, s8, $0xb8;
	[tilespmem:$0x10600] =	vst v63  }
0x84: {  	v32 =	vld [tilespmem:$0x3F0]  }
0x85: {  	v33 =	vld [tilespmem:$0x3B0]  }
0x86: {  	v34 =	vld [tilespmem:$0x3E0]  }
0x87: {  	v35 =	vld [tilespmem:$0x3D0]  }
0x88: {  	v36 =	vld [tilespmem:$0x3C0]  }
0x89: {  	v37 =	vld [tilespmem:$0x330];
	v32 =	vadd.s32 v4, v32  }
0x8a: {  	v38 =	vld [tilespmem:$0x3A0];
	v33 =	vadd.s32 v3, v33;
	[tilespmem:$0x3F0] =	vst v32  }
0x8b: {  	v56 =	vld [tilespmem:$0x380];
	v55 =	vadd.s32 v5, v34;
	[tilespmem:$0x3B0] =	vst v33  }
0x8c: {  	v59 =	vld [tilespmem:$0x350];
	v35 =	vadd.s32 v6, v35;
	[tilespmem:$0x3E0] =	vst v55  }
0x8d: {  	v62 =	vld [tilespmem:$0x2B0];
	v36 =	vadd.s32 v7, v36;
	[tilespmem:$0x3D0] =	vst v35  }
0x8e: {  	v44 =	vld [tilespmem:$0x2D0];
	v58 =	vadd.s32 v2, v37;
	[tilespmem:$0x3C0] =	vst v36  }
0x8f: {  	v54 =	vld [tilespmem:$0x390];
	v61 =	vadd.s32 v8, v38;
	[tilespmem:$0x330] =	vst v58  }
0x90: {  	v57 =	vld [tilespmem:$0x360];
	v34 =	vadd.s32 v10, v56;
	[tilespmem:$0x3A0] =	vst v61  }
0x91: {  	v60 =	vld [tilespmem:$0x340];
	v37 =	vadd.s32 v12, v59;
	[tilespmem:$0x380] =	vst v34  }
0x92: {  	v63 =	vld [tilespmem:$0x320];
	v43 =	vadd.s32 v1, v62;
	[tilespmem:$0x350] =	vst v37  }
0x93: {  	v41 =	vld [tilespmem:$0x300];
	v38 =	vadd.s32 v18, v44;
	[tilespmem:$0x2B0] =	vst v43  }
0x94: {  	v46 =	vld [tilespmem:$0x230];
	v32 =	vadd.s32 v9, v54;
	[tilespmem:$0x2D0] =	vst v38  }
0x95: {  	v51 =	vld [tilespmem:$0x260];
	v33 =	vadd.s32 v11, v57;
	[tilespmem:$0x390] =	vst v32  }
0x96: {  	v52 =	vld [tilespmem:$0x250];
	v35 =	vadd.s32 v13, v60;
	[tilespmem:$0x360] =	vst v33  }
0x97: {  	v40 =	vld [tilespmem:$0x310];
	v36 =	vadd.s32 v14, v63;
	[tilespmem:$0x340] =	vst v35  }
0x98: {  	v42 =	vld [tilespmem:$0x2E0];
	v34 =	vadd.s32 v16, v41;
	[tilespmem:$0x320] =	vst v36  }
0x99: {  	v45 =	vld [tilespmem:$0x2C0];
	v37 =	vadd.s32 v0, v46;
	[tilespmem:$0x300] =	vst v34  }
0x9a: {  	v47 =	vld [tilespmem:$0x2A0];
	v38 =	vadd.s32 v24, v51;
	[tilespmem:$0x230] =	vst v37  }
0x9b: {  	v49 =	vld [tilespmem:$0x280];
	v57 =	vadd.s32 v25, v52;
	[tilespmem:$0x260] =	vst v38  }
0x9c: {  	v53 =	vld [tilespmem:$0x240];
	v32 =	vadd.s32 v15, v40;
	[tilespmem:$0x250] =	vst v57  }
0x9d: {  	v48 =	vld [tilespmem:$0x290];
	v33 =	vadd.s32 v17, v42;
	[tilespmem:$0x310] =	vst v32  }
0x9e: {  	v50 =	vld [tilespmem:$0x270];
	v35 =	vadd.s32 v19, v45;
	[tilespmem:$0x2E0] =	vst v33  }
0x9f: {  	v56 =	vld [tilespmem:$0x210];
	v36 =	vadd.s32 v20, v47;
	[tilespmem:$0x2C0] =	vst v35  }
0xa0: {  	v59 =	vld [tilespmem:$0x200];
	v34 =	vadd.s32 v22, v49;
	[tilespmem:$0x2A0] =	vst v36  }
0xa1: {  	v54 =	vld [tilespmem:$0x370];
	v37 =	vadd.s32 v26, v53;
	[tilespmem:$0x280] =	vst v34  }
0xa2: {  	v55 =	vld [tilespmem:$0x220];
	v32 =	vadd.s32 v21, v48;
	[tilespmem:$0x240] =	vst v37  }
0xa3: {  	v58 =	vld [tilespmem:$0x2F0];
	v33 =	vadd.s32 v23, v50;
	[tilespmem:$0x290] =	vst v32  }
0xa4: {  	[tilespmem:$0x270] =	vst v33;
	v61 =	vadd.s32 v29, v56  }
0xa5: {  	v63 =	vadd.s32 v31, v59;
	[tilespmem:$0x210] =	vst v61  }
0xa6: {  	v32 =	vadd.s32 v27, v54;
	[tilespmem:$0x200] =	vst v63  }
0xa7: {  	v60 =	vadd.s32 v28, v55;
	[tilespmem:$0x370] =	vst v32  }
0xa8: {  	v62 =	vadd.s32 v30, v58;
	[tilespmem:$0x220] =	vst v60  }
0xa9: {  	[tilespmem:$0x2F0] =	vst v62  }
0xaa: {  	[tilespmem:s15], [sflag:$0x2] =	stream.indirect.gather [hbm4b:s4+s8], $0x1, s7, s8, $0xb8;
	[tilespmem:$0x10600] =	vst v63  }
0xab: {  	_ = 	snop  }
0xac: {  	[tilespmem:s17], [sflag:$0x2] =	stream.indirect.gather [hbm4b:s4+s8], $0x1, s16, s8, $0xb8;
	[tilespmem:$0x10600] =	vst v63  }
0xad: {  	_ = 	snop  }
0xae: {  	[tilespmem:s19], [sflag:$0x2] =	stream.indirect.gather [hbm4b:s4+s8], $0x1, s18, s8, $0xb8;
	[tilespmem:$0x10600] =	vst v63  }
0xaf: {  	_ = 	snop  }
0xb0: {  	[tilespmem:s22], [sflag:$0x2] =	stream.indirect.gather [hbm4b:s4+s8], $0x1, s21, s8, $0xb8;
	[tilespmem:$0x10600] =	vst v63  }
0xb1: {  	_ =	swait.ge [sflag:s20], $0x4000  }
0xb2: {  	[sflag:s20] =	ssyncset.done $0x0  }
0xb3: {  	[sflag:s20] =	ssyncadd.s32 $0xFFFFC000  }
0xb4: {  	[hbm4b:s24+s2] =	stream.linear.scatter [tilespmem:s9], [sflag:$0x3], $0x4000, $0x38;
	[tilespmem:$0x10600] =	vst v63  }
0xb5: {  	_ =	swait.ge [sflag:s20], $0x4000  }
0xb6: {  	[sflag:s20] =	ssyncset.done $0x0  }
0xb7: {  	p0 =	sne.s32 s31, $0x1;
	[sflag:s20] =	ssyncadd.s32 $0xFFFFC000  }
0xb8: {  	[hbm4b:s26+s2] =	stream.linear.scatter [tilespmem:s10], [sflag:$0x3], $0x4000, $0x38;
	[tilespmem:$0x10600] =	vst v63  }
.Ltmp1:
0xb9: {  	_ = 	snop;
	(pc) =	sbr.rel @p0 .LBB2_1-.Ltmp1, $4  }
0xba: {  	_ =	swait.ge [sflag:s20], $0x4000  }
0xbb: {  	[sflag:s20] =	ssyncset.done $0x0  }
0xbc: {  	s31 =	sadd.s32 $0xFFFFFFFF, s31;
	[sflag:s20] =	ssyncadd.s32 $0xFFFFC000  }
0xbd: {  	[hbm4b:s29+s2] =	stream.linear.scatter [tilespmem:s12], [sflag:$0x3], $0x4000, $0x38;
	[tilespmem:$0x10600] =	vst v63  }
.LBB2_2:
0xbe: {  	_ =	swait.ge [sflag:s20], $0x4000  }
0xbf: {  	[sflag:s20] =	ssyncset.done $0x0  }
0xc0: {  	[sflag:s20] =	ssyncadd.s32 $0xFFFFC000  }
0xc1: {  	[hbm4b:s30+s2] =	stream.linear.scatter [tilespmem:s13], [sflag:$0x3], $0x4000, $0x38;
	[tilespmem:$0x10600] =	vst v63  }
0xc2: {  	_ =	swait.ge [sflag:s28], $0x80  }
0xc3: {  	[sflag:s28] =	ssyncset.done $0x0  }
0xc4: {  	[sflag:s28] =	ssyncadd.s32 $0xFFFFFF80  }
0xc5: {  	_ =	swait.ge [sflag:s28], $0x80  }
0xc6: {  	[sflag:s28] =	ssyncset.done $0x0  }
0xc7: {  	[sflag:s28] =	ssyncadd.s32 $0xFFFFFF80  }
0xc8: {  	_ =	swait.ge [sflag:s28], $0x80  }
0xc9: {  	[sflag:s28] =	ssyncset.done $0x0  }
0xca: {  	[sflag:s28] =	ssyncadd.s32 $0xFFFFFF80  }
0xcb: {  	_ =	swait.ge [sflag:s28], $0x80  }
0xcc: {  	[sflag:s28] =	ssyncset.done $0x0  }
0xcd: {  	[sflag:s28] =	ssyncadd.s32 $0xFFFFFF80  }
0xce: {  	[hbm4b:s25+s2] =	stream.linear.scatter [tilespmem:s15], [sflag:$0x4], $0x200, $0x38;
	[tilespmem:$0x10600] =	vst v63  }
0xcf: {  	_ =	swait.ge [sflag:s3], $0x200  }
0xd0: {  	[sflag:s3] =	ssyncset.done $0x0  }
0xd1: {  	[sflag:s3] =	ssyncadd.s32 $0xFFFFFE00  }
0xd2: {  	_ =	swait.ge [sflag:s23], $0x4000  }
0xd3: {  	[sflag:s23] =	ssyncset.done $0x0  }
0xd4: {  	[sflag:s23] =	ssyncadd.s32 $0xFFFFC000  }
0xd5: {  	_ =	swait.ge [sflag:s23], $0x4000  }
0xd6: {  	[sflag:s23] =	ssyncset.done $0x0  }
0xd7: {  	[sflag:s23] =	ssyncadd.s32 $0xFFFFC000  }
0xd8: {  	_ =	swait.ge [sflag:s23], $0x4000  }
0xd9: {  	[sflag:s23] =	ssyncset.done $0x0  }
0xda: {  	[sflag:s23] =	ssyncadd.s32 $0xFFFFC000  }
0xdb: {  	_ =	swait.ge [sflag:s23], $0x4000  }
0xdc: {  	[sflag:s23] =	ssyncset.done $0x0  }
0xdd: {  	[sflag:s23] =	ssyncadd.s32 $0xFFFFC000  }
0xde: {  	_ =	sfence.sel $0x180000  }
0xdf: {  	[bflag:$0x0] =	sbarrier.arrive $0xFFFF  }
0xe0: {  	_ =	strace $0x90000047  }
0xe1: {  	[bflag:$0x2] =	sbarrier.arrive $0xFFFF  }
0xe2: {  	p0 =	sne.s32 s0, $0x0;
	s0 =	rddreg [dreg:$0x5]  }
0xe3: {  	s0 =	sadd.s32 @!p0 $0x100000, s0  }
0xe4: {  	[sflag:s0] =	ssyncadd.tile.s32 @!p0 $0x1;
	_ =	shalt  }
.Lfunc_end2:
_tile_overlayer_lowered:
.L_overlay_start_2:
0xe5: {  	(tag) =	ssettag $0x2  }
0xe6: {  	s0 =	rddreg [dreg:$0x0];
	s2 =	stileid.u32  }
0xe7: {  	s1 =	rddreg [dreg:$0x1];
	p0 =	sne.s32 s2, $0x0  }
0xe8: {  	s3 =	rddreg [dreg:$0x2];
	[bflag:$0x3] =	sbarrier.arrive $0xFFFF;
	s2 =	simm.s32 @!p0 $0x1C04  }
0xe9: {  	[timem:s3], [sflag:s2] =	dma.local @!p0 [hbm:s0], s1  }
0xea: {  	s0 =	simm.s32 @!p0 $0x4  }
0xeb: {  	_ =	swait.ge @!p0 [sflag:s0], s1  }
0xec: {  	s1 =	ssub.s32 @!p0 $0x0, s1;
	[sflag:s0] =	ssyncset.done @!p0 $0x0  }
0xed: {  	[sflag:s0] =	ssyncadd.s32 @!p0 s1  }
0xee: {  	[bflag:$0x3] =	sbarrier.arrive $0xFFFF  }
0xef: {  	_ =	shalt  }

</sc_bundles>
